<compile_context>
chip_gen: v7x
topology: tpu7x:2x2x1
jax: 0.10.2.dev20260603
libtpu: 0.0.44.dev20260713+nightly
codegen_flags: <defaults>
</compile_context>

<pallas_src>
import functools

import jax
import jax.numpy as jnp
from jax import lax
from jax.experimental import pallas as pl
from jax.experimental.pallas import tpu as pltpu
from jax.experimental.pallas import tpu_sc as plsc

_B, _C, _NSP = 4, 64, 1024
_H = _W = 512
_N = _H * _W
_PB = 16384
_NBLK = _N // _PB

_NSUB = 16
_PPT = _N // _NSUB
_NKEY = _NSP * _C
_SLICE = _NKEY // _NSUB



_sc_mesh = plsc.VectorSubcoreMesh(core_axis_name="c", subcore_axis_name="s")


_CHUNK = 128
_NCHUNK = _PPT // _CHUNK


@functools.partial(
    pl.kernel,
    out_type=[jax.ShapeDtypeStruct((_B, _N), jnp.int32),
              jax.ShapeDtypeStruct((2 * _NSUB, _C), jnp.int32)],
    mesh=_sc_mesh,
    scratch_types=[
        pltpu.VMEM((_PPT,), jnp.int32),
        pltpu.VMEM((_PPT,), jnp.int32),
        pltpu.VMEM((_NCHUNK, _CHUNK), jnp.int32),
        pltpu.VMEM((_PPT,), jnp.int32),
        pltpu.VMEM((_CHUNK,), jnp.int32),
        pltpu.VMEM((_SLICE,), jnp.int32),
        pltpu.VMEM((_NSP,), jnp.int32),
        pltpu.VMEM((_C,), jnp.int32),
        pltpu.VMEM((_C,), jnp.int32),
        pltpu.VMEM_SHARED((_NKEY,), jnp.int32),
        pltpu.VMEM_SHARED((_NSP,), jnp.int32),
    ],
    compiler_params=pltpu.CompilerParams(needs_layout_passes=False),
)
def _sc_phase1(tgt_hbm, sp_hbm, ref_hbm, pres_hbm,
               tgt_v, sp_v, keys_v, ref_v, ones_v, sum_v,
               modes_v, mymodes_v, pres_v, hist_sh, modes_sh):
    ci = lax.axis_index("c")
    si = lax.axis_index("s")
    wid = ci * _NSUB + si
    zeros16 = jnp.zeros((16,), jnp.int32)
    ones16 = jnp.ones((16,), jnp.int32)
    lanes = lax.iota(jnp.int32, 16)

    for j in range(_C // 16):
        pres_v[pl.ds(j * 16, 16)] = zeros16
    for j in range(_CHUNK // 16):
        ones_v[pl.ds(j * 16, 16)] = ones16

    for t in range(2):
        img = 2 * ci + t
        base = si * _PPT

        def zs_body(i, c):
            sum_v[pl.ds(i * 16, 16)] = zeros16
            return c
        lax.fori_loop(0, _SLICE // 16, zs_body, 0)
        pltpu.sync_copy(sum_v, hist_sh.at[pl.ds(si * _SLICE, _SLICE)])

        pltpu.sync_copy(tgt_hbm.at[img, pl.ds(base, _PPT)], tgt_v)
        pltpu.sync_copy(sp_hbm.at[img, pl.ds(base, _PPT)], sp_v)

        def key_body(i, c):
            for jj in range(_CHUNK // 16):
                o = pl.ds(i * _CHUNK + jj * 16, 16)
                keys_v[i, pl.ds(jj * 16, 16)] = sp_v[o] * _C + tgt_v[o]
            return c
        lax.fori_loop(0, _NCHUNK, key_body, 0)

        plsc.subcore_barrier()

        def add_body(j, c):
            pltpu.sync_copy(ones_v, hist_sh.at[keys_v.at[j]], add=True)
            return c
        lax.fori_loop(0, _NCHUNK, add_body, 0)

        plsc.subcore_barrier()

        pltpu.sync_copy(hist_sh.at[pl.ds(si * _SLICE, _SLICE)], sum_v)

        def group_body(g, c):
            spbase = (g * 16 + lanes) * _C
            best = plsc.load_gather(sum_v, [spbase])
            bestc = jnp.zeros((16,), jnp.int32)
            rowsum = best

            def cls_body(cc, carry):
                b, bc, rs = carry
                v = plsc.load_gather(sum_v, [spbase + cc])
                gt = v > b
                return (jnp.where(gt, v, b), jnp.where(gt, cc, bc), rs + v)

            best, bestc, rowsum = lax.fori_loop(1, _C, cls_body,
                                                (best, bestc, rowsum))
            mymodes_v[pl.ds(g * 16, 16)] = bestc
            plsc.store_scatter(pres_v, [bestc], ones16, mask=rowsum > 0)
            return c
        lax.fori_loop(0, _C // 16, group_body, 0)

        pltpu.sync_copy(mymodes_v, modes_sh.at[pl.ds(si * _C, _C)])
        plsc.subcore_barrier()
        pltpu.sync_copy(modes_sh, modes_v)

        def gather_body(i, c):
            sv = sp_v[pl.ds(i * 16, 16)]
            ref_v[pl.ds(i * 16, 16)] = plsc.load_gather(modes_v, [sv])
            return c
        lax.fori_loop(0, _PPT // 16, gather_body, 0)

        pltpu.sync_copy(ref_v, ref_hbm.at[img, pl.ds(base, _PPT)])

    pltpu.sync_copy(pres_v, pres_hbm.at[wid])



def _loss_body(x_ref, r_ref, acc_ref):
    i = pl.program_id(0)
    x = x_ref[0]
    r = r_ref[0, 0]
    e = jnp.exp(x)
    s = jnp.sum(e, axis=0)
    lse = jnp.log(s)
    cls = jax.lax.broadcasted_iota(jnp.int32, (_C, _PB), 0)
    xr = jnp.sum(jnp.where(cls == r[None, :], x, 0.0), axis=0)
    part = jnp.sum(lse - xr)

    @pl.when(i == 0)
    def _():
        acc_ref[0, 0] = 0.0

    acc_ref[0, 0] += part


def _ce_loss(out_f, refs):
    refs_r = refs.reshape(_B * _NBLK, 1, _PB)
    acc = pl.pallas_call(
        _loss_body,
        grid=(_B * _NBLK,),
        in_specs=[
            pl.BlockSpec((1, _C, _PB), lambda i: (i // _NBLK, 0, i % _NBLK)),
            pl.BlockSpec((1, 1, _PB), lambda i: (i, 0, 0)),
        ],
        out_specs=pl.BlockSpec(memory_space=pltpu.SMEM),
        out_shape=jax.ShapeDtypeStruct((1, 1), jnp.float32),
    )(out_f, refs_r)
    return acc[0, 0] / (_B * _N)


def kernel(output, target, preseg):
    tgt = target.reshape(_B, _N)
    sp = preseg.reshape(_B, _N)
    out_f = output.reshape(_B, _C, _N)

    refs, pres = _sc_phase1(tgt, sp)
    loss = _ce_loss(out_f, refs)
    uniq = jnp.max(pres, axis=0)
    target_refs = refs.reshape(_B, 1, _H, _W)
    return (loss, target_refs, uniq)

# --- scband reference (transcript-rebuilt; emitter-appended) ---
"""Pipeline reference for scband-custom-loss-39436389712300 (READ-ONLY COPY).

The authoritative reference and input builder live on the scoring server;
editing this copy changes nothing except your own understanding.
"""

import jax, jax.numpy as jnp
import numpy as np

NUM_SP = 1024      # number of distinct superpixel ids in preseg
NUM_CLASSES = 64   # number of classes in output / values in target
B, H, W = 4, 512, 512


def setup_inputs(seed: int = 0) -> dict:
    key = jax.random.key(seed)
    k1, k2, k3 = jax.random.split(key, 3)
    output = jax.random.normal(k1, (B, NUM_CLASSES, H, W), dtype=jnp.float32)
    target = jax.random.randint(k2, (B, H, W), 0, NUM_CLASSES, dtype=jnp.int32)
    preseg = jax.random.randint(k3, (B, 1, H, W), 0, NUM_SP, dtype=jnp.int32)
    return {"output": output, "target": target, "preseg": preseg}


def reference(output, target, preseg):
    # output: [B, C, H, W] logits; target: [B, H, W] int labels; preseg: [B, 1, H, W] superpixel ids
    Bn, C = output.shape[0], output.shape[1]
    Hh, Ww = preseg.shape[2], preseg.shape[3]
    target_f = target.reshape(Bn, -1)
    preseg_f = preseg.reshape(Bn, -1)
    out_f = output.reshape(Bn, C, -1)

    def per_image(out_i, tgt_i, sp_i):
        # superpixel refinement: majority-vote label per superpixel via 2D histogram
        # counts[s, c] = #pixels with preseg==s and target==c (scatter-add)
        counts = jnp.zeros((NUM_SP, C), jnp.int32).at[sp_i, tgt_i].add(1)
        # np.unique sorts labels and np.argmax takes first max -> argmax over class
        # axis picks the smallest class index among ties, matching torch/numpy code
        mode = jnp.argmax(counts, axis=1)
        ref = mode[sp_i]  # gather refined label back to every pixel
        # CrossEntropyLoss(reduction='mean') on [1, C, N] vs [1, N]
        logp = jax.nn.log_softmax(out_i, axis=0)  # [C, N]
        ce = -jnp.mean(jnp.take_along_axis(logp, ref[None, :], axis=0))
        return ce, ref

    ces, refs = jax.vmap(per_image)(out_f, target_f, preseg_f)
    loss = jnp.sum(ces) / Bn
    target_refs = refs.reshape(Bn, 1, Hh, Ww)
    # unique_labels in the torch code is a python list of labels present in the
    # refined targets; represent it as a per-class presence mask (scatter-set)
    unique_labels = jnp.zeros((C,), jnp.int32).at[refs.reshape(-1)].set(1)
    return (loss, target_refs, unique_labels)

if __name__ == "__main__":
    import jax
    _d = setup_inputs()
    print(jax.jit(kernel)(*tuple(_d.values())))

</pallas_src>

<mosaic_0001>
#map = affine_map<(d0, d1) -> (0, 0)>
module attributes {stable_mosaic.version = 14 : i64} {
  func.func @_sc_phase1(%arg0: i32, %arg1: i32, %arg2: memref<4x262144xi32, #tpu.memory_space<hbm>>, %arg3: memref<4x262144xi32, #tpu.memory_space<hbm>>, %arg4: memref<4x262144xi32, #tpu.memory_space<hbm>>, %arg5: memref<32x64xi32, #tpu.memory_space<hbm>>, %arg6: memref<16384xi32, #tpu.memory_space<vmem>>, %arg7: memref<16384xi32, #tpu.memory_space<vmem>>, %arg8: memref<128x128xi32, #tpu.memory_space<vmem>>, %arg9: memref<16384xi32, #tpu.memory_space<vmem>>, %arg10: memref<128xi32, #tpu.memory_space<vmem>>, %arg11: memref<4096xi32, #tpu.memory_space<vmem>>, %arg12: memref<1024xi32, #tpu.memory_space<vmem>>, %arg13: memref<64xi32, #tpu.memory_space<vmem>>, %arg14: memref<64xi32, #tpu.memory_space<vmem>>, %arg15: memref<65536xi32, #tpu.memory_space<vmem_shared>>, %arg16: memref<1024xi32, #tpu.memory_space<vmem_shared>>) attributes {dimension_semantics = [#tpu.dimension_semantics<core_parallel>, #tpu.dimension_semantics<subcore_parallel>], iteration_bounds = array<i64: 2, 16>, scalar_prefetch = 0 : i64, scratch_operands = 11 : i64, tpu.core_type = #tpu.core_type<sc_vector_subcore>, window_params = [{transform_indices = #map}, {transform_indices = #map}, {transform_indices = #map}, {transform_indices = #map}]} {
    %mul3A = arith.constant 16 : i32
    %mul3A_0 = arith.muli %arg0, %mul3A : i32
    %add3A = arith.addi %mul3A_0, %arg1 : i32
    %broadcast_in_dim3A = arith.constant 0 : i32
    %broadcast_in_dim3A_1 = vector.broadcast %broadcast_in_dim3A : i32 to vector<16xi32>
    %broadcast_in_dim3A_2 = arith.constant 1 : i32
    %broadcast_in_dim3A_3 = vector.broadcast %broadcast_in_dim3A_2 : i32 to vector<16xi32>
    %iota3A = tpu.iota {dimensions = array<i32: 0>} : vector<16xi32>
    %swap3A = arith.constant 0 : index
    %swap3A_4 = tpu.vector_load %arg14[%swap3A] {strides = array<i32>} : memref<64xi32, #tpu.memory_space<vmem>>, vector<16xi32>,
    tpu.vector_store %arg14[%swap3A], %broadcast_in_dim3A_1 {strides = array<i32>} : memref<64xi32, #tpu.memory_space<vmem>>, vector<16xi32>,
    %swap3A_5 = arith.constant 16 : index
    %swap3A_6 = tpu.vector_load %arg14[%swap3A_5] {strides = array<i32>} : memref<64xi32, #tpu.memory_space<vmem>>, vector<16xi32>,
    tpu.vector_store %arg14[%swap3A_5], %broadcast_in_dim3A_1 {strides = array<i32>} : memref<64xi32, #tpu.memory_space<vmem>>, vector<16xi32>,
    %swap3A_7 = arith.constant 32 : index
    %swap3A_8 = tpu.vector_load %arg14[%swap3A_7] {strides = array<i32>} : memref<64xi32, #tpu.memory_space<vmem>>, vector<16xi32>,
    tpu.vector_store %arg14[%swap3A_7], %broadcast_in_dim3A_1 {strides = array<i32>} : memref<64xi32, #tpu.memory_space<vmem>>, vector<16xi32>,
    %swap3A_9 = arith.constant 48 : index
    %swap3A_10 = tpu.vector_load %arg14[%swap3A_9] {strides = array<i32>} : memref<64xi32, #tpu.memory_space<vmem>>, vector<16xi32>,
    tpu.vector_store %arg14[%swap3A_9], %broadcast_in_dim3A_1 {strides = array<i32>} : memref<64xi32, #tpu.memory_space<vmem>>, vector<16xi32>,
    %swap3A_11 = arith.constant 0 : index
    %swap3A_12 = tpu.vector_load %arg10[%swap3A_11] {strides = array<i32>} : memref<128xi32, #tpu.memory_space<vmem>>, vector<16xi32>,
    tpu.vector_store %arg10[%swap3A_11], %broadcast_in_dim3A_3 {strides = array<i32>} : memref<128xi32, #tpu.memory_space<vmem>>, vector<16xi32>,
    %swap3A_13 = arith.constant 16 : index
    %swap3A_14 = tpu.vector_load %arg10[%swap3A_13] {strides = array<i32>} : memref<128xi32, #tpu.memory_space<vmem>>, vector<16xi32>,
    tpu.vector_store %arg10[%swap3A_13], %broadcast_in_dim3A_3 {strides = array<i32>} : memref<128xi32, #tpu.memory_space<vmem>>, vector<16xi32>,
    %swap3A_15 = arith.constant 32 : index
    %swap3A_16 = tpu.vector_load %arg10[%swap3A_15] {strides = array<i32>} : memref<128xi32, #tpu.memory_space<vmem>>, vector<16xi32>,
    tpu.vector_store %arg10[%swap3A_15], %broadcast_in_dim3A_3 {strides = array<i32>} : memref<128xi32, #tpu.memory_space<vmem>>, vector<16xi32>,
    %swap3A_17 = arith.constant 48 : index
    %swap3A_18 = tpu.vector_load %arg10[%swap3A_17] {strides = array<i32>} : memref<128xi32, #tpu.memory_space<vmem>>, vector<16xi32>,
    tpu.vector_store %arg10[%swap3A_17], %broadcast_in_dim3A_3 {strides = array<i32>} : memref<128xi32, #tpu.memory_space<vmem>>, vector<16xi32>,
    %swap3A_19 = arith.constant 64 : index
    %swap3A_20 = tpu.vector_load %arg10[%swap3A_19] {strides = array<i32>} : memref<128xi32, #tpu.memory_space<vmem>>, vector<16xi32>,
    tpu.vector_store %arg10[%swap3A_19], %broadcast_in_dim3A_3 {strides = array<i32>} : memref<128xi32, #tpu.memory_space<vmem>>, vector<16xi32>,
    %swap3A_21 = arith.constant 80 : index
    %swap3A_22 = tpu.vector_load %arg10[%swap3A_21] {strides = array<i32>} : memref<128xi32, #tpu.memory_space<vmem>>, vector<16xi32>,
    tpu.vector_store %arg10[%swap3A_21], %broadcast_in_dim3A_3 {strides = array<i32>} : memref<128xi32, #tpu.memory_space<vmem>>, vector<16xi32>,
    %swap3A_23 = arith.constant 96 : index
    %swap3A_24 = tpu.vector_load %arg10[%swap3A_23] {strides = array<i32>} : memref<128xi32, #tpu.memory_space<vmem>>, vector<16xi32>,
    tpu.vector_store %arg10[%swap3A_23], %broadcast_in_dim3A_3 {strides = array<i32>} : memref<128xi32, #tpu.memory_space<vmem>>, vector<16xi32>,
    %swap3A_25 = arith.constant 112 : index
    %swap3A_26 = tpu.vector_load %arg10[%swap3A_25] {strides = array<i32>} : memref<128xi32, #tpu.memory_space<vmem>>, vector<16xi32>,
    tpu.vector_store %arg10[%swap3A_25], %broadcast_in_dim3A_3 {strides = array<i32>} : memref<128xi32, #tpu.memory_space<vmem>>, vector<16xi32>,
    %mul3A_27 = arith.constant 2 : i32
    %mul3A_28 = arith.muli %mul3A_27, %arg0 : i32
    %add3A_29 = arith.constant 0 : i32
    %add3A_30 = arith.addi %mul3A_28, %add3A_29 : i32
    %mul3A_31 = arith.constant 16384 : i32
    %mul3A_32 = arith.muli %arg1, %mul3A_31 : i32
    %scan3A = arith.constant 0 : i32
    %scan3A_33 = arith.constant 0 : i32
    %scan3A_34 = arith.constant 256 : i32
    %scan3A_35 = arith.addi %scan3A_33, %scan3A_34 : i32
    %scan3A_36 = arith.constant 1 : i32
    scf.for %scan3A_115 = %scan3A_33 to %scan3A_35 step %scan3A_36  : i32 {
      %mul3A_116 = arith.constant 16 : i32
      %mul3A_117 = arith.muli %scan3A_115, %mul3A_116 : i32
      %swap3A_118 = arith.index_cast %mul3A_117 : i32 to index
      %swap3A_119 = tpu.vector_load %arg11[%swap3A_118] {strides = array<i32>} : memref<4096xi32, #tpu.memory_space<vmem>>, vector<16xi32>,
      tpu.vector_store %arg11[%swap3A_118], %broadcast_in_dim3A_1 {strides = array<i32>} : memref<4096xi32, #tpu.memory_space<vmem>>, vector<16xi32>,
    }
    %scan3A_37 = arith.constant 256 : i32
    %mul3A_38 = arith.constant 4096 : i32
    %mul3A_39 = arith.muli %arg1, %mul3A_38 : i32
    "tpu.region"() ({
      %run_scoped3A = tpu.sem_alloc : memref<!tpu.dma_semaphore, #tpu.memory_space<semaphore_mem>>
      %dma_start3A = tpu.memref_slice %arg15[%mul3A_39] : memref<65536xi32, #tpu.memory_space<vmem_shared>> -> memref<4096xi32, #tpu.memory_space<vmem_shared>>
      %dma_start3A_115 = tpu.memref_slice %arg15[%mul3A_39] : memref<65536xi32, #tpu.memory_space<vmem_shared>> -> memref<4096xi32, #tpu.memory_space<vmem_shared>>
      tpu.enqueue_dma source(%arg11 : memref<4096xi32, #tpu.memory_space<vmem>>) target(%dma_start3A_115 : memref<4096xi32, #tpu.memory_space<vmem_shared>>) target_semaphore(%run_scoped3A : memref<!tpu.dma_semaphore, #tpu.memory_space<semaphore_mem>>)
      %dma_wait3A = tpu.memref_slice %arg15[%mul3A_39] : memref<65536xi32, #tpu.memory_space<vmem_shared>> -> memref<4096xi32, #tpu.memory_space<vmem_shared>>
      %dma_wait3A_116 = tpu.memref_slice %arg15[%mul3A_39] : memref<65536xi32, #tpu.memory_space<vmem_shared>> -> memref<4096xi32, #tpu.memory_space<vmem_shared>>
      tpu.wait_dma2 semaphore(%run_scoped3A : memref<!tpu.dma_semaphore, #tpu.memory_space<semaphore_mem>>) src(%arg11 : memref<4096xi32, #tpu.memory_space<vmem>>) dst(%dma_wait3A_116 : memref<4096xi32, #tpu.memory_space<vmem_shared>>)
      tpu.yield
    }) : () -> ()
    "tpu.region"() ({
      %run_scoped3A = tpu.sem_alloc : memref<!tpu.dma_semaphore, #tpu.memory_space<semaphore_mem>>
      %dma_start3A = tpu.memref_slice %arg2[%add3A_30, %mul3A_32] : memref<4x262144xi32, #tpu.memory_space<hbm>> -> memref<1x16384xi32, #tpu.memory_space<hbm>>
      %dma_start3A_115 = tpu.memref_squeeze %dma_start3A : memref<1x16384xi32, #tpu.memory_space<hbm>> -> memref<16384xi32, #tpu.memory_space<hbm>>
      %dma_start3A_116 = tpu.memref_slice %arg2[%add3A_30, %mul3A_32] : memref<4x262144xi32, #tpu.memory_space<hbm>> -> memref<1x16384xi32, #tpu.memory_space<hbm>>
      %dma_start3A_117 = tpu.memref_squeeze %dma_start3A_116 : memref<1x16384xi32, #tpu.memory_space<hbm>> -> memref<16384xi32, #tpu.memory_space<hbm>>
      tpu.enqueue_dma source(%dma_start3A_117 : memref<16384xi32, #tpu.memory_space<hbm>>) target(%arg6 : memref<16384xi32, #tpu.memory_space<vmem>>) target_semaphore(%run_scoped3A : memref<!tpu.dma_semaphore, #tpu.memory_space<semaphore_mem>>)
      %dma_wait3A = tpu.memref_slice %arg2[%add3A_30, %mul3A_32] : memref<4x262144xi32, #tpu.memory_space<hbm>> -> memref<1x16384xi32, #tpu.memory_space<hbm>>
      %dma_wait3A_118 = tpu.memref_squeeze %dma_wait3A : memref<1x16384xi32, #tpu.memory_space<hbm>> -> memref<16384xi32, #tpu.memory_space<hbm>>
      %dma_wait3A_119 = tpu.memref_slice %arg2[%add3A_30, %mul3A_32] : memref<4x262144xi32, #tpu.memory_space<hbm>> -> memref<1x16384xi32, #tpu.memory_space<hbm>>
      %dma_wait3A_120 = tpu.memref_squeeze %dma_wait3A_119 : memref<1x16384xi32, #tpu.memory_space<hbm>> -> memref<16384xi32, #tpu.memory_space<hbm>>
      tpu.wait_dma2 semaphore(%run_scoped3A : memref<!tpu.dma_semaphore, #tpu.memory_space<semaphore_mem>>) src(%dma_wait3A_120 : memref<16384xi32, #tpu.memory_space<hbm>>) dst(%arg6 : memref<16384xi32, #tpu.memory_space<vmem>>)
      tpu.yield
    }) : () -> ()
    "tpu.region"() ({
      %run_scoped3A = tpu.sem_alloc : memref<!tpu.dma_semaphore, #tpu.memory_space<semaphore_mem>>
      %dma_start3A = tpu.memref_slice %arg3[%add3A_30, %mul3A_32] : memref<4x262144xi32, #tpu.memory_space<hbm>> -> memref<1x16384xi32, #tpu.memory_space<hbm>>
      %dma_start3A_115 = tpu.memref_squeeze %dma_start3A : memref<1x16384xi32, #tpu.memory_space<hbm>> -> memref<16384xi32, #tpu.memory_space<hbm>>
      %dma_start3A_116 = tpu.memref_slice %arg3[%add3A_30, %mul3A_32] : memref<4x262144xi32, #tpu.memory_space<hbm>> -> memref<1x16384xi32, #tpu.memory_space<hbm>>
      %dma_start3A_117 = tpu.memref_squeeze %dma_start3A_116 : memref<1x16384xi32, #tpu.memory_space<hbm>> -> memref<16384xi32, #tpu.memory_space<hbm>>
      tpu.enqueue_dma source(%dma_start3A_117 : memref<16384xi32, #tpu.memory_space<hbm>>) target(%arg7 : memref<16384xi32, #tpu.memory_space<vmem>>) target_semaphore(%run_scoped3A : memref<!tpu.dma_semaphore, #tpu.memory_space<semaphore_mem>>)
      %dma_wait3A = tpu.memref_slice %arg3[%add3A_30, %mul3A_32] : memref<4x262144xi32, #tpu.memory_space<hbm>> -> memref<1x16384xi32, #tpu.memory_space<hbm>>
      %dma_wait3A_118 = tpu.memref_squeeze %dma_wait3A : memref<1x16384xi32, #tpu.memory_space<hbm>> -> memref<16384xi32, #tpu.memory_space<hbm>>
      %dma_wait3A_119 = tpu.memref_slice %arg3[%add3A_30, %mul3A_32] : memref<4x262144xi32, #tpu.memory_space<hbm>> -> memref<1x16384xi32, #tpu.memory_space<hbm>>
      %dma_wait3A_120 = tpu.memref_squeeze %dma_wait3A_119 : memref<1x16384xi32, #tpu.memory_space<hbm>> -> memref<16384xi32, #tpu.memory_space<hbm>>
      tpu.wait_dma2 semaphore(%run_scoped3A : memref<!tpu.dma_semaphore, #tpu.memory_space<semaphore_mem>>) src(%dma_wait3A_120 : memref<16384xi32, #tpu.memory_space<hbm>>) dst(%arg7 : memref<16384xi32, #tpu.memory_space<vmem>>)
      tpu.yield
    }) : () -> ()
    %scan3A_40 = arith.constant 0 : i32
    %scan3A_41 = arith.constant 0 : i32
    %scan3A_42 = arith.constant 128 : i32
    %scan3A_43 = arith.addi %scan3A_41, %scan3A_42 : i32
    %scan3A_44 = arith.constant 1 : i32
    scf.for %scan3A_115 = %scan3A_41 to %scan3A_43 step %scan3A_44  : i32 {
      %mul3A_116 = arith.constant 128 : i32
      %mul3A_117 = arith.muli %scan3A_115, %mul3A_116 : i32
      %add3A_118 = arith.constant 0 : i32
      %add3A_119 = arith.addi %mul3A_117, %add3A_118 : i32
      %get3A = arith.index_cast %add3A_119 : i32 to index
      %get3A_120 = tpu.vector_load %arg7[%get3A] {strides = array<i32>} : memref<16384xi32, #tpu.memory_space<vmem>>, vector<16xi32>,
      %mul3A_121 = arith.constant 64 : i32
      %mul3A_122 = vector.broadcast %mul3A_121 : i32 to vector<16xi32>
      %mul3A_123 = arith.muli %get3A_120, %mul3A_122 : vector<16xi32>
      %get3A_124 = arith.index_cast %add3A_119 : i32 to index
      %get3A_125 = tpu.vector_load %arg6[%get3A_124] {strides = array<i32>} : memref<16384xi32, #tpu.memory_space<vmem>>, vector<16xi32>,
      %add3A_126 = arith.addi %mul3A_123, %get3A_125 : vector<16xi32>
      %swap3A_127 = arith.index_cast %scan3A_115 : i32 to index
      %swap3A_128 = arith.constant 0 : index
      %swap3A_129 = tpu.vector_load %arg8[%swap3A_127, %swap3A_128] {strides = array<i32>} : memref<128x128xi32, #tpu.memory_space<vmem>>, vector<16xi32>,
      tpu.vector_store %arg8[%swap3A_127, %swap3A_128], %add3A_126 {strides = array<i32>} : memref<128x128xi32, #tpu.memory_space<vmem>>, vector<16xi32>,
      %mul3A_130 = arith.constant 128 : i32
      %mul3A_131 = arith.muli %scan3A_115, %mul3A_130 : i32
      %add3A_132 = arith.constant 16 : i32
      %add3A_133 = arith.addi %mul3A_131, %add3A_132 : i32
      %get3A_134 = arith.index_cast %add3A_133 : i32 to index
      %get3A_135 = tpu.vector_load %arg7[%get3A_134] {strides = array<i32>} : memref<16384xi32, #tpu.memory_space<vmem>>, vector<16xi32>,
      %mul3A_136 = arith.constant 64 : i32
      %mul3A_137 = vector.broadcast %mul3A_136 : i32 to vector<16xi32>
      %mul3A_138 = arith.muli %get3A_135, %mul3A_137 : vector<16xi32>
      %get3A_139 = arith.index_cast %add3A_133 : i32 to index
      %get3A_140 = tpu.vector_load %arg6[%get3A_139] {strides = array<i32>} : memref<16384xi32, #tpu.memory_space<vmem>>, vector<16xi32>,
      %add3A_141 = arith.addi %mul3A_138, %get3A_140 : vector<16xi32>
      %swap3A_142 = arith.index_cast %scan3A_115 : i32 to index
      %swap3A_143 = arith.constant 16 : index
      %swap3A_144 = tpu.vector_load %arg8[%swap3A_142, %swap3A_143] {strides = array<i32>} : memref<128x128xi32, #tpu.memory_space<vmem>>, vector<16xi32>,
      tpu.vector_store %arg8[%swap3A_142, %swap3A_143], %add3A_141 {strides = array<i32>} : memref<128x128xi32, #tpu.memory_space<vmem>>, vector<16xi32>,
      %mul3A_145 = arith.constant 128 : i32
      %mul3A_146 = arith.muli %scan3A_115, %mul3A_145 : i32
      %add3A_147 = arith.constant 32 : i32
      %add3A_148 = arith.addi %mul3A_146, %add3A_147 : i32
      %get3A_149 = arith.index_cast %add3A_148 : i32 to index
      %get3A_150 = tpu.vector_load %arg7[%get3A_149] {strides = array<i32>} : memref<16384xi32, #tpu.memory_space<vmem>>, vector<16xi32>,
      %mul3A_151 = arith.constant 64 : i32
      %mul3A_152 = vector.broadcast %mul3A_151 : i32 to vector<16xi32>
      %mul3A_153 = arith.muli %get3A_150, %mul3A_152 : vector<16xi32>
      %get3A_154 = arith.index_cast %add3A_148 : i32 to index
      %get3A_155 = tpu.vector_load %arg6[%get3A_154] {strides = array<i32>} : memref<16384xi32, #tpu.memory_space<vmem>>, vector<16xi32>,
      %add3A_156 = arith.addi %mul3A_153, %get3A_155 : vector<16xi32>
      %swap3A_157 = arith.index_cast %scan3A_115 : i32 to index
      %swap3A_158 = arith.constant 32 : index
      %swap3A_159 = tpu.vector_load %arg8[%swap3A_157, %swap3A_158] {strides = array<i32>} : memref<128x128xi32, #tpu.memory_space<vmem>>, vector<16xi32>,
      tpu.vector_store %arg8[%swap3A_157, %swap3A_158], %add3A_156 {strides = array<i32>} : memref<128x128xi32, #tpu.memory_space<vmem>>, vector<16xi32>,
      %mul3A_160 = arith.constant 128 : i32
      %mul3A_161 = arith.muli %scan3A_115, %mul3A_160 : i32
      %add3A_162 = arith.constant 48 : i32
      %add3A_163 = arith.addi %mul3A_161, %add3A_162 : i32
      %get3A_164 = arith.index_cast %add3A_163 : i32 to index
      %get3A_165 = tpu.vector_load %arg7[%get3A_164] {strides = array<i32>} : memref<16384xi32, #tpu.memory_space<vmem>>, vector<16xi32>,
      %mul3A_166 = arith.constant 64 : i32
      %mul3A_167 = vector.broadcast %mul3A_166 : i32 to vector<16xi32>
      %mul3A_168 = arith.muli %get3A_165, %mul3A_167 : vector<16xi32>
      %get3A_169 = arith.index_cast %add3A_163 : i32 to index
      %get3A_170 = tpu.vector_load %arg6[%get3A_169] {strides = array<i32>} : memref<16384xi32, #tpu.memory_space<vmem>>, vector<16xi32>,
      %add3A_171 = arith.addi %mul3A_168, %get3A_170 : vector<16xi32>
      %swap3A_172 = arith.index_cast %scan3A_115 : i32 to index
      %swap3A_173 = arith.constant 48 : index
      %swap3A_174 = tpu.vector_load %arg8[%swap3A_172, %swap3A_173] {strides = array<i32>} : memref<128x128xi32, #tpu.memory_space<vmem>>, vector<16xi32>,
      tpu.vector_store %arg8[%swap3A_172, %swap3A_173], %add3A_171 {strides = array<i32>} : memref<128x128xi32, #tpu.memory_space<vmem>>, vector<16xi32>,
      %mul3A_175 = arith.constant 128 : i32
      %mul3A_176 = arith.muli %scan3A_115, %mul3A_175 : i32
      %add3A_177 = arith.constant 64 : i32
      %add3A_178 = arith.addi %mul3A_176, %add3A_177 : i32
      %get3A_179 = arith.index_cast %add3A_178 : i32 to index
      %get3A_180 = tpu.vector_load %arg7[%get3A_179] {strides = array<i32>} : memref<16384xi32, #tpu.memory_space<vmem>>, vector<16xi32>,
      %mul3A_181 = arith.constant 64 : i32
      %mul3A_182 = vector.broadcast %mul3A_181 : i32 to vector<16xi32>
      %mul3A_183 = arith.muli %get3A_180, %mul3A_182 : vector<16xi32>
      %get3A_184 = arith.index_cast %add3A_178 : i32 to index
      %get3A_185 = tpu.vector_load %arg6[%get3A_184] {strides = array<i32>} : memref<16384xi32, #tpu.memory_space<vmem>>, vector<16xi32>,
      %add3A_186 = arith.addi %mul3A_183, %get3A_185 : vector<16xi32>
      %swap3A_187 = arith.index_cast %scan3A_115 : i32 to index
      %swap3A_188 = arith.constant 64 : index
      %swap3A_189 = tpu.vector_load %arg8[%swap3A_187, %swap3A_188] {strides = array<i32>} : memref<128x128xi32, #tpu.memory_space<vmem>>, vector<16xi32>,
      tpu.vector_store %arg8[%swap3A_187, %swap3A_188], %add3A_186 {strides = array<i32>} : memref<128x128xi32, #tpu.memory_space<vmem>>, vector<16xi32>,
      %mul3A_190 = arith.constant 128 : i32
      %mul3A_191 = arith.muli %scan3A_115, %mul3A_190 : i32
      %add3A_192 = arith.constant 80 : i32
      %add3A_193 = arith.addi %mul3A_191, %add3A_192 : i32
      %get3A_194 = arith.index_cast %add3A_193 : i32 to index
      %get3A_195 = tpu.vector_load %arg7[%get3A_194] {strides = array<i32>} : memref<16384xi32, #tpu.memory_space<vmem>>, vector<16xi32>,
      %mul3A_196 = arith.constant 64 : i32
      %mul3A_197 = vector.broadcast %mul3A_196 : i32 to vector<16xi32>
      %mul3A_198 = arith.muli %get3A_195, %mul3A_197 : vector<16xi32>
      %get3A_199 = arith.index_cast %add3A_193 : i32 to index
      %get3A_200 = tpu.vector_load %arg6[%get3A_199] {strides = array<i32>} : memref<16384xi32, #tpu.memory_space<vmem>>, vector<16xi32>,
      %add3A_201 = arith.addi %mul3A_198, %get3A_200 : vector<16xi32>
      %swap3A_202 = arith.index_cast %scan3A_115 : i32 to index
      %swap3A_203 = arith.constant 80 : index
      %swap3A_204 = tpu.vector_load %arg8[%swap3A_202, %swap3A_203] {strides = array<i32>} : memref<128x128xi32, #tpu.memory_space<vmem>>, vector<16xi32>,
      tpu.vector_store %arg8[%swap3A_202, %swap3A_203], %add3A_201 {strides = array<i32>} : memref<128x128xi32, #tpu.memory_space<vmem>>, vector<16xi32>,
      %mul3A_205 = arith.constant 128 : i32
      %mul3A_206 = arith.muli %scan3A_115, %mul3A_205 : i32
      %add3A_207 = arith.constant 96 : i32
      %add3A_208 = arith.addi %mul3A_206, %add3A_207 : i32
      %get3A_209 = arith.index_cast %add3A_208 : i32 to index
      %get3A_210 = tpu.vector_load %arg7[%get3A_209] {strides = array<i32>} : memref<16384xi32, #tpu.memory_space<vmem>>, vector<16xi32>,
      %mul3A_211 = arith.constant 64 : i32
      %mul3A_212 = vector.broadcast %mul3A_211 : i32 to vector<16xi32>
      %mul3A_213 = arith.muli %get3A_210, %mul3A_212 : vector<16xi32>
      %get3A_214 = arith.index_cast %add3A_208 : i32 to index
      %get3A_215 = tpu.vector_load %arg6[%get3A_214] {strides = array<i32>} : memref<16384xi32, #tpu.memory_space<vmem>>, vector<16xi32>,
      %add3A_216 = arith.addi %mul3A_213, %get3A_215 : vector<16xi32>
      %swap3A_217 = arith.index_cast %scan3A_115 : i32 to index
      %swap3A_218 = arith.constant 96 : index
      %swap3A_219 = tpu.vector_load %arg8[%swap3A_217, %swap3A_218] {strides = array<i32>} : memref<128x128xi32, #tpu.memory_space<vmem>>, vector<16xi32>,
      tpu.vector_store %arg8[%swap3A_217, %swap3A_218], %add3A_216 {strides = array<i32>} : memref<128x128xi32, #tpu.memory_space<vmem>>, vector<16xi32>,
      %mul3A_220 = arith.constant 128 : i32
      %mul3A_221 = arith.muli %scan3A_115, %mul3A_220 : i32
      %add3A_222 = arith.constant 112 : i32
      %add3A_223 = arith.addi %mul3A_221, %add3A_222 : i32
      %get3A_224 = arith.index_cast %add3A_223 : i32 to index
      %get3A_225 = tpu.vector_load %arg7[%get3A_224] {strides = array<i32>} : memref<16384xi32, #tpu.memory_space<vmem>>, vector<16xi32>,
      %mul3A_226 = arith.constant 64 : i32
      %mul3A_227 = vector.broadcast %mul3A_226 : i32 to vector<16xi32>
      %mul3A_228 = arith.muli %get3A_225, %mul3A_227 : vector<16xi32>
      %get3A_229 = arith.index_cast %add3A_223 : i32 to index
      %get3A_230 = tpu.vector_load %arg6[%get3A_229] {strides = array<i32>} : memref<16384xi32, #tpu.memory_space<vmem>>, vector<16xi32>,
      %add3A_231 = arith.addi %mul3A_228, %get3A_230 : vector<16xi32>
      %swap3A_232 = arith.index_cast %scan3A_115 : i32 to index
      %swap3A_233 = arith.constant 112 : index
      %swap3A_234 = tpu.vector_load %arg8[%swap3A_232, %swap3A_233] {strides = array<i32>} : memref<128x128xi32, #tpu.memory_space<vmem>>, vector<16xi32>,
      tpu.vector_store %arg8[%swap3A_232, %swap3A_233], %add3A_231 {strides = array<i32>} : memref<128x128xi32, #tpu.memory_space<vmem>>, vector<16xi32>,
    }
    %scan3A_45 = arith.constant 128 : i32
    %barrier3A = arith.constant 0 : index
    tpu.barrier barrier_id(%barrier3A)
    %scan3A_46 = arith.constant 0 : i32
    %scan3A_47 = arith.constant 0 : i32
    %scan3A_48 = arith.constant 128 : i32
    %scan3A_49 = arith.addi %scan3A_47, %scan3A_48 : i32
    %scan3A_50 = arith.constant 1 : i32
    scf.for %scan3A_115 = %scan3A_47 to %scan3A_49 step %scan3A_50  : i32 {
      "tpu.region"() ({
        %run_scoped3A = tpu.sem_alloc : memref<!tpu.dma_semaphore, #tpu.memory_space<semaphore_mem>>
        %dma_start3A = arith.constant 0 : i32
        %dma_start3A_116 = tpu.memref_slice %arg8[%scan3A_115, %dma_start3A] : memref<128x128xi32, #tpu.memory_space<vmem>> -> memref<1x128xi32, #tpu.memory_space<vmem>>
        %dma_start3A_117 = tpu.memref_squeeze %dma_start3A_116 : memref<1x128xi32, #tpu.memory_space<vmem>> -> memref<128xi32, #tpu.memory_space<vmem>>
        %dma_start3A_118 = arith.constant 0 : i32
        %dma_start3A_119 = tpu.memref_slice %arg15[%dma_start3A_118] : memref<65536xi32, #tpu.memory_space<vmem_shared>> -> memref<65536xi32, #tpu.memory_space<vmem_shared>>
        tpu.enqueue_indirect_dma source(%arg10 : memref<128xi32, #tpu.memory_space<vmem>>) target(%dma_start3A_119 : memref<65536xi32, #tpu.memory_space<vmem_shared>>) offsets(%dma_start3A_117 : memref<128xi32, #tpu.memory_space<vmem>>) semaphore(%run_scoped3A : memref<!tpu.dma_semaphore, #tpu.memory_space<semaphore_mem>>) {add = true}
        %dma_wait3A = arith.constant 0 : i32
        %dma_wait3A_120 = tpu.memref_slice %arg8[%scan3A_115, %dma_wait3A] : memref<128x128xi32, #tpu.memory_space<vmem>> -> memref<1x128xi32, #tpu.memory_space<vmem>>
        %dma_wait3A_121 = tpu.memref_squeeze %dma_wait3A_120 : memref<1x128xi32, #tpu.memory_space<vmem>> -> memref<128xi32, #tpu.memory_space<vmem>>
        %dma_wait3A_122 = arith.constant 0 : i32
        %dma_wait3A_123 = tpu.memref_slice %arg15[%dma_wait3A_122] : memref<65536xi32, #tpu.memory_space<vmem_shared>> -> memref<65536xi32, #tpu.memory_space<vmem_shared>>
        tpu.wait_indirect_dma semaphore(%run_scoped3A : memref<!tpu.dma_semaphore, #tpu.memory_space<semaphore_mem>>) src(%arg10 : memref<128xi32, #tpu.memory_space<vmem>>) dst(%dma_wait3A_123 : memref<65536xi32, #tpu.memory_space<vmem_shared>>)
        tpu.yield
      }) : () -> ()
    }
    %scan3A_51 = arith.constant 128 : i32
    %barrier3A_52 = arith.constant 0 : index
    tpu.barrier barrier_id(%barrier3A_52)
    %mul3A_53 = arith.constant 4096 : i32
    %mul3A_54 = arith.muli %arg1, %mul3A_53 : i32
    "tpu.region"() ({
      %run_scoped3A = tpu.sem_alloc : memref<!tpu.dma_semaphore, #tpu.memory_space<semaphore_mem>>
      %dma_start3A = tpu.memref_slice %arg15[%mul3A_54] : memref<65536xi32, #tpu.memory_space<vmem_shared>> -> memref<4096xi32, #tpu.memory_space<vmem_shared>>
      %dma_start3A_115 = tpu.memref_slice %arg15[%mul3A_54] : memref<65536xi32, #tpu.memory_space<vmem_shared>> -> memref<4096xi32, #tpu.memory_space<vmem_shared>>
      tpu.enqueue_dma source(%dma_start3A_115 : memref<4096xi32, #tpu.memory_space<vmem_shared>>) target(%arg11 : memref<4096xi32, #tpu.memory_space<vmem>>) target_semaphore(%run_scoped3A : memref<!tpu.dma_semaphore, #tpu.memory_space<semaphore_mem>>)
      %dma_wait3A = tpu.memref_slice %arg15[%mul3A_54] : memref<65536xi32, #tpu.memory_space<vmem_shared>> -> memref<4096xi32, #tpu.memory_space<vmem_shared>>
      %dma_wait3A_116 = tpu.memref_slice %arg15[%mul3A_54] : memref<65536xi32, #tpu.memory_space<vmem_shared>> -> memref<4096xi32, #tpu.memory_space<vmem_shared>>
      tpu.wait_dma2 semaphore(%run_scoped3A : memref<!tpu.dma_semaphore, #tpu.memory_space<semaphore_mem>>) src(%dma_wait3A_116 : memref<4096xi32, #tpu.memory_space<vmem_shared>>) dst(%arg11 : memref<4096xi32, #tpu.memory_space<vmem>>)
      tpu.yield
    }) : () -> ()
    %scan3A_55 = arith.constant 0 : i32
    %scan3A_56 = arith.constant 0 : i32
    %scan3A_57 = arith.constant 4 : i32
    %scan3A_58 = arith.addi %scan3A_56, %scan3A_57 : i32
    %scan3A_59 = arith.constant 1 : i32
    scf.for %scan3A_115 = %scan3A_56 to %scan3A_58 step %scan3A_59  : i32 {
      %mul3A_116 = arith.constant 16 : i32
      %mul3A_117 = arith.muli %scan3A_115, %mul3A_116 : i32
      %add3A_118 = vector.broadcast %mul3A_117 : i32 to vector<16xi32>
      %add3A_119 = arith.addi %add3A_118, %iota3A : vector<16xi32>
      %mul3A_120 = arith.constant 64 : i32
      %mul3A_121 = vector.broadcast %mul3A_120 : i32 to vector<16xi32>
      %mul3A_122 = arith.muli %add3A_119, %mul3A_121 : vector<16xi32>
      %gather3A = tpu.vector_load_idx %arg11[%mul3A_122] : memref<4096xi32, #tpu.memory_space<vmem>>[vector<16xi32>], vector<16xi32>,
      %broadcast_in_dim3A_123 = arith.constant 0 : i32
      %broadcast_in_dim3A_124 = vector.broadcast %broadcast_in_dim3A_123 : i32 to vector<16xi32>
      %scan3A_125 = arith.constant 1 : i32
      %scan3A_126 = arith.constant 63 : i32
      %scan3A_127 = arith.addi %scan3A_125, %scan3A_126 : i32
      %scan3A_128 = arith.constant 1 : i32
      %scan3A_129:3 = scf.for %scan3A_137 = %scan3A_125 to %scan3A_127 step %scan3A_128 iter_args(%scan3A_138 = %gather3A, %scan3A_139 = %broadcast_in_dim3A_124, %scan3A_140 = %gather3A) -> (vector<16xi32>, vector<16xi32>, vector<16xi32>)  : i32 {
        %add3A_141 = vector.broadcast %scan3A_137 : i32 to vector<16xi32>
        %add3A_142 = arith.addi %mul3A_122, %add3A_141 : vector<16xi32>
        %gather3A_143 = tpu.vector_load_idx %arg11[%add3A_142] : memref<4096xi32, #tpu.memory_space<vmem>>[vector<16xi32>], vector<16xi32>,
        %gt3A_144 = arith.cmpi sgt, %gather3A_143, %scan3A_138 : vector<16xi32>
        %select_n3A = arith.select %gt3A_144, %gather3A_143, %scan3A_138 : vector<16xi1>, vector<16xi32>
        %broadcast_in_dim3A_145 = vector.broadcast %scan3A_137 : i32 to vector<16xi32>
        %select_n3A_146 = arith.select %gt3A_144, %broadcast_in_dim3A_145, %scan3A_139 : vector<16xi1>, vector<16xi32>
        %add3A_147 = arith.addi %scan3A_140, %gather3A_143 : vector<16xi32>
        scf.yield %select_n3A, %select_n3A_146, %add3A_147 : vector<16xi32>, vector<16xi32>, vector<16xi32>
      }
      %scan3A_130 = arith.constant 63 : i32
      %mul3A_131 = arith.constant 16 : i32
      %mul3A_132 = arith.muli %scan3A_115, %mul3A_131 : i32
      %swap3A_133 = arith.index_cast %mul3A_132 : i32 to index
      %swap3A_134 = tpu.vector_load %arg13[%swap3A_133] {strides = array<i32>} : memref<64xi32, #tpu.memory_space<vmem>>, vector<16xi32>,
      tpu.vector_store %arg13[%swap3A_133], %scan3A_129#1 {strides = array<i32>} : memref<64xi32, #tpu.memory_space<vmem>>, vector<16xi32>,
      %gt3A = arith.constant 0 : i32
      %gt3A_135 = vector.broadcast %gt3A : i32 to vector<16xi32>
      %gt3A_136 = arith.cmpi sgt, %scan3A_129#2, %gt3A_135 : vector<16xi32>
      tpu.vector_store_idx %arg14[%scan3A_129#1], %broadcast_in_dim3A_3 masked %gt3A_136 : memref<64xi32, #tpu.memory_space<vmem>>[vector<16xi32>], vector<16xi32>, vector<16xi1>
    }
    %scan3A_60 = arith.constant 4 : i32
    %mul3A_61 = arith.constant 64 : i32
    %mul3A_62 = arith.muli %arg1, %mul3A_61 : i32
    "tpu.region"() ({
      %run_scoped3A = tpu.sem_alloc : memref<!tpu.dma_semaphore, #tpu.memory_space<semaphore_mem>>
      %dma_start3A = tpu.memref_slice %arg16[%mul3A_62] : memref<1024xi32, #tpu.memory_space<vmem_shared>> -> memref<64xi32, #tpu.memory_space<vmem_shared>>
      %dma_start3A_115 = tpu.memref_slice %arg16[%mul3A_62] : memref<1024xi32, #tpu.memory_space<vmem_shared>> -> memref<64xi32, #tpu.memory_space<vmem_shared>>
      tpu.enqueue_dma source(%arg13 : memref<64xi32, #tpu.memory_space<vmem>>) target(%dma_start3A_115 : memref<64xi32, #tpu.memory_space<vmem_shared>>) target_semaphore(%run_scoped3A : memref<!tpu.dma_semaphore, #tpu.memory_space<semaphore_mem>>)
      %dma_wait3A = tpu.memref_slice %arg16[%mul3A_62] : memref<1024xi32, #tpu.memory_space<vmem_shared>> -> memref<64xi32, #tpu.memory_space<vmem_shared>>
      %dma_wait3A_116 = tpu.memref_slice %arg16[%mul3A_62] : memref<1024xi32, #tpu.memory_space<vmem_shared>> -> memref<64xi32, #tpu.memory_space<vmem_shared>>
      tpu.wait_dma2 semaphore(%run_scoped3A : memref<!tpu.dma_semaphore, #tpu.memory_space<semaphore_mem>>) src(%arg13 : memref<64xi32, #tpu.memory_space<vmem>>) dst(%dma_wait3A_116 : memref<64xi32, #tpu.memory_space<vmem_shared>>)
      tpu.yield
    }) : () -> ()
    %barrier3A_63 = arith.constant 0 : index
    tpu.barrier barrier_id(%barrier3A_63)
    "tpu.region"() ({
      %run_scoped3A = tpu.sem_alloc : memref<!tpu.dma_semaphore, #tpu.memory_space<semaphore_mem>>
      tpu.enqueue_dma source(%arg16 : memref<1024xi32, #tpu.memory_space<vmem_shared>>) target(%arg12 : memref<1024xi32, #tpu.memory_space<vmem>>) target_semaphore(%run_scoped3A : memref<!tpu.dma_semaphore, #tpu.memory_space<semaphore_mem>>)
      tpu.wait_dma2 semaphore(%run_scoped3A : memref<!tpu.dma_semaphore, #tpu.memory_space<semaphore_mem>>) src(%arg16 : memref<1024xi32, #tpu.memory_space<vmem_shared>>) dst(%arg12 : memref<1024xi32, #tpu.memory_space<vmem>>)
      tpu.yield
    }) : () -> ()
    %scan3A_64 = arith.constant 0 : i32
    %scan3A_65 = arith.constant 0 : i32
    %scan3A_66 = arith.constant 1024 : i32
    %scan3A_67 = arith.addi %scan3A_65, %scan3A_66 : i32
    %scan3A_68 = arith.constant 1 : i32
    scf.for %scan3A_115 = %scan3A_65 to %scan3A_67 step %scan3A_68  : i32 {
      %mul3A_116 = arith.constant 16 : i32
      %mul3A_117 = arith.muli %scan3A_115, %mul3A_116 : i32
      %get3A = arith.index_cast %mul3A_117 : i32 to index
      %get3A_118 = tpu.vector_load %arg7[%get3A] {strides = array<i32>} : memref<16384xi32, #tpu.memory_space<vmem>>, vector<16xi32>,
      %gather3A = tpu.vector_load_idx %arg12[%get3A_118] : memref<1024xi32, #tpu.memory_space<vmem>>[vector<16xi32>], vector<16xi32>,
      %mul3A_119 = arith.constant 16 : i32
      %mul3A_120 = arith.muli %scan3A_115, %mul3A_119 : i32
      %swap3A_121 = arith.index_cast %mul3A_120 : i32 to index
      %swap3A_122 = tpu.vector_load %arg9[%swap3A_121] {strides = array<i32>} : memref<16384xi32, #tpu.memory_space<vmem>>, vector<16xi32>,
      tpu.vector_store %arg9[%swap3A_121], %gather3A {strides = array<i32>} : memref<16384xi32, #tpu.memory_space<vmem>>, vector<16xi32>,
    }
    %scan3A_69 = arith.constant 1024 : i32
    "tpu.region"() ({
      %run_scoped3A = tpu.sem_alloc : memref<!tpu.dma_semaphore, #tpu.memory_space<semaphore_mem>>
      %dma_start3A = tpu.memref_slice %arg4[%add3A_30, %mul3A_32] : memref<4x262144xi32, #tpu.memory_space<hbm>> -> memref<1x16384xi32, #tpu.memory_space<hbm>>
      %dma_start3A_115 = tpu.memref_squeeze %dma_start3A : memref<1x16384xi32, #tpu.memory_space<hbm>> -> memref<16384xi32, #tpu.memory_space<hbm>>
      %dma_start3A_116 = tpu.memref_slice %arg4[%add3A_30, %mul3A_32] : memref<4x262144xi32, #tpu.memory_space<hbm>> -> memref<1x16384xi32, #tpu.memory_space<hbm>>
      %dma_start3A_117 = tpu.memref_squeeze %dma_start3A_116 : memref<1x16384xi32, #tpu.memory_space<hbm>> -> memref<16384xi32, #tpu.memory_space<hbm>>
      tpu.enqueue_dma source(%arg9 : memref<16384xi32, #tpu.memory_space<vmem>>) target(%dma_start3A_117 : memref<16384xi32, #tpu.memory_space<hbm>>) target_semaphore(%run_scoped3A : memref<!tpu.dma_semaphore, #tpu.memory_space<semaphore_mem>>)
      %dma_wait3A = tpu.memref_slice %arg4[%add3A_30, %mul3A_32] : memref<4x262144xi32, #tpu.memory_space<hbm>> -> memref<1x16384xi32, #tpu.memory_space<hbm>>
      %dma_wait3A_118 = tpu.memref_squeeze %dma_wait3A : memref<1x16384xi32, #tpu.memory_space<hbm>> -> memref<16384xi32, #tpu.memory_space<hbm>>
      %dma_wait3A_119 = tpu.memref_slice %arg4[%add3A_30, %mul3A_32] : memref<4x262144xi32, #tpu.memory_space<hbm>> -> memref<1x16384xi32, #tpu.memory_space<hbm>>
      %dma_wait3A_120 = tpu.memref_squeeze %dma_wait3A_119 : memref<1x16384xi32, #tpu.memory_space<hbm>> -> memref<16384xi32, #tpu.memory_space<hbm>>
      tpu.wait_dma2 semaphore(%run_scoped3A : memref<!tpu.dma_semaphore, #tpu.memory_space<semaphore_mem>>) src(%arg9 : memref<16384xi32, #tpu.memory_space<vmem>>) dst(%dma_wait3A_120 : memref<16384xi32, #tpu.memory_space<hbm>>)
      tpu.yield
    }) : () -> ()
    %mul3A_70 = arith.constant 2 : i32
    %mul3A_71 = arith.muli %mul3A_70, %arg0 : i32
    %add3A_72 = arith.constant 1 : i32
    %add3A_73 = arith.addi %mul3A_71, %add3A_72 : i32
    %mul3A_74 = arith.constant 16384 : i32
    %mul3A_75 = arith.muli %arg1, %mul3A_74 : i32
    %scan3A_76 = arith.constant 0 : i32
    %scan3A_77 = arith.constant 0 : i32
    %scan3A_78 = arith.constant 256 : i32
    %scan3A_79 = arith.addi %scan3A_77, %scan3A_78 : i32
    %scan3A_80 = arith.constant 1 : i32
    scf.for %scan3A_115 = %scan3A_77 to %scan3A_79 step %scan3A_80  : i32 {
      %mul3A_116 = arith.constant 16 : i32
      %mul3A_117 = arith.muli %scan3A_115, %mul3A_116 : i32
      %swap3A_118 = arith.index_cast %mul3A_117 : i32 to index
      %swap3A_119 = tpu.vector_load %arg11[%swap3A_118] {strides = array<i32>} : memref<4096xi32, #tpu.memory_space<vmem>>, vector<16xi32>,
      tpu.vector_store %arg11[%swap3A_118], %broadcast_in_dim3A_1 {strides = array<i32>} : memref<4096xi32, #tpu.memory_space<vmem>>, vector<16xi32>,
    }
    %scan3A_81 = arith.constant 256 : i32
    %mul3A_82 = arith.constant 4096 : i32
    %mul3A_83 = arith.muli %arg1, %mul3A_82 : i32
    "tpu.region"() ({
      %run_scoped3A = tpu.sem_alloc : memref<!tpu.dma_semaphore, #tpu.memory_space<semaphore_mem>>
      %dma_start3A = tpu.memref_slice %arg15[%mul3A_83] : memref<65536xi32, #tpu.memory_space<vmem_shared>> -> memref<4096xi32, #tpu.memory_space<vmem_shared>>
      %dma_start3A_115 = tpu.memref_slice %arg15[%mul3A_83] : memref<65536xi32, #tpu.memory_space<vmem_shared>> -> memref<4096xi32, #tpu.memory_space<vmem_shared>>
      tpu.enqueue_dma source(%arg11 : memref<4096xi32, #tpu.memory_space<vmem>>) target(%dma_start3A_115 : memref<4096xi32, #tpu.memory_space<vmem_shared>>) target_semaphore(%run_scoped3A : memref<!tpu.dma_semaphore, #tpu.memory_space<semaphore_mem>>)
      %dma_wait3A = tpu.memref_slice %arg15[%mul3A_83] : memref<65536xi32, #tpu.memory_space<vmem_shared>> -> memref<4096xi32, #tpu.memory_space<vmem_shared>>
      %dma_wait3A_116 = tpu.memref_slice %arg15[%mul3A_83] : memref<65536xi32, #tpu.memory_space<vmem_shared>> -> memref<4096xi32, #tpu.memory_space<vmem_shared>>
      tpu.wait_dma2 semaphore(%run_scoped3A : memref<!tpu.dma_semaphore, #tpu.memory_space<semaphore_mem>>) src(%arg11 : memref<4096xi32, #tpu.memory_space<vmem>>) dst(%dma_wait3A_116 : memref<4096xi32, #tpu.memory_space<vmem_shared>>)
      tpu.yield
    }) : () -> ()
    "tpu.region"() ({
      %run_scoped3A = tpu.sem_alloc : memref<!tpu.dma_semaphore, #tpu.memory_space<semaphore_mem>>
      %dma_start3A = tpu.memref_slice %arg2[%add3A_73, %mul3A_75] : memref<4x262144xi32, #tpu.memory_space<hbm>> -> memref<1x16384xi32, #tpu.memory_space<hbm>>
      %dma_start3A_115 = tpu.memref_squeeze %dma_start3A : memref<1x16384xi32, #tpu.memory_space<hbm>> -> memref<16384xi32, #tpu.memory_space<hbm>>
      %dma_start3A_116 = tpu.memref_slice %arg2[%add3A_73, %mul3A_75] : memref<4x262144xi32, #tpu.memory_space<hbm>> -> memref<1x16384xi32, #tpu.memory_space<hbm>>
      %dma_start3A_117 = tpu.memref_squeeze %dma_start3A_116 : memref<1x16384xi32, #tpu.memory_space<hbm>> -> memref<16384xi32, #tpu.memory_space<hbm>>
      tpu.enqueue_dma source(%dma_start3A_117 : memref<16384xi32, #tpu.memory_space<hbm>>) target(%arg6 : memref<16384xi32, #tpu.memory_space<vmem>>) target_semaphore(%run_scoped3A : memref<!tpu.dma_semaphore, #tpu.memory_space<semaphore_mem>>)
      %dma_wait3A = tpu.memref_slice %arg2[%add3A_73, %mul3A_75] : memref<4x262144xi32, #tpu.memory_space<hbm>> -> memref<1x16384xi32, #tpu.memory_space<hbm>>
      %dma_wait3A_118 = tpu.memref_squeeze %dma_wait3A : memref<1x16384xi32, #tpu.memory_space<hbm>> -> memref<16384xi32, #tpu.memory_space<hbm>>
      %dma_wait3A_119 = tpu.memref_slice %arg2[%add3A_73, %mul3A_75] : memref<4x262144xi32, #tpu.memory_space<hbm>> -> memref<1x16384xi32, #tpu.memory_space<hbm>>
      %dma_wait3A_120 = tpu.memref_squeeze %dma_wait3A_119 : memref<1x16384xi32, #tpu.memory_space<hbm>> -> memref<16384xi32, #tpu.memory_space<hbm>>
      tpu.wait_dma2 semaphore(%run_scoped3A : memref<!tpu.dma_semaphore, #tpu.memory_space<semaphore_mem>>) src(%dma_wait3A_120 : memref<16384xi32, #tpu.memory_space<hbm>>) dst(%arg6 : memref<16384xi32, #tpu.memory_space<vmem>>)
      tpu.yield
    }) : () -> ()
    "tpu.region"() ({
      %run_scoped3A = tpu.sem_alloc : memref<!tpu.dma_semaphore, #tpu.memory_space<semaphore_mem>>
      %dma_start3A = tpu.memref_slice %arg3[%add3A_73, %mul3A_75] : memref<4x262144xi32, #tpu.memory_space<hbm>> -> memref<1x16384xi32, #tpu.memory_space<hbm>>
      %dma_start3A_115 = tpu.memref_squeeze %dma_start3A : memref<1x16384xi32, #tpu.memory_space<hbm>> -> memref<16384xi32, #tpu.memory_space<hbm>>
      %dma_start3A_116 = tpu.memref_slice %arg3[%add3A_73, %mul3A_75] : memref<4x262144xi32, #tpu.memory_space<hbm>> -> memref<1x16384xi32, #tpu.memory_space<hbm>>
      %dma_start3A_117 = tpu.memref_squeeze %dma_start3A_116 : memref<1x16384xi32, #tpu.memory_space<hbm>> -> memref<16384xi32, #tpu.memory_space<hbm>>
      tpu.enqueue_dma source(%dma_start3A_117 : memref<16384xi32, #tpu.memory_space<hbm>>) target(%arg7 : memref<16384xi32, #tpu.memory_space<vmem>>) target_semaphore(%run_scoped3A : memref<!tpu.dma_semaphore, #tpu.memory_space<semaphore_mem>>)
      %dma_wait3A = tpu.memref_slice %arg3[%add3A_73, %mul3A_75] : memref<4x262144xi32, #tpu.memory_space<hbm>> -> memref<1x16384xi32, #tpu.memory_space<hbm>>
      %dma_wait3A_118 = tpu.memref_squeeze %dma_wait3A : memref<1x16384xi32, #tpu.memory_space<hbm>> -> memref<16384xi32, #tpu.memory_space<hbm>>
      %dma_wait3A_119 = tpu.memref_slice %arg3[%add3A_73, %mul3A_75] : memref<4x262144xi32, #tpu.memory_space<hbm>> -> memref<1x16384xi32, #tpu.memory_space<hbm>>
      %dma_wait3A_120 = tpu.memref_squeeze %dma_wait3A_119 : memref<1x16384xi32, #tpu.memory_space<hbm>> -> memref<16384xi32, #tpu.memory_space<hbm>>
      tpu.wait_dma2 semaphore(%run_scoped3A : memref<!tpu.dma_semaphore, #tpu.memory_space<semaphore_mem>>) src(%dma_wait3A_120 : memref<16384xi32, #tpu.memory_space<hbm>>) dst(%arg7 : memref<16384xi32, #tpu.memory_space<vmem>>)
      tpu.yield
    }) : () -> ()
    %scan3A_84 = arith.constant 0 : i32
    %scan3A_85 = arith.constant 0 : i32
    %scan3A_86 = arith.constant 128 : i32
    %scan3A_87 = arith.addi %scan3A_85, %scan3A_86 : i32
    %scan3A_88 = arith.constant 1 : i32
    scf.for %scan3A_115 = %scan3A_85 to %scan3A_87 step %scan3A_88  : i32 {
      %mul3A_116 = arith.constant 128 : i32
      %mul3A_117 = arith.muli %scan3A_115, %mul3A_116 : i32
      %add3A_118 = arith.constant 0 : i32
      %add3A_119 = arith.addi %mul3A_117, %add3A_118 : i32
      %get3A = arith.index_cast %add3A_119 : i32 to index
      %get3A_120 = tpu.vector_load %arg7[%get3A] {strides = array<i32>} : memref<16384xi32, #tpu.memory_space<vmem>>, vector<16xi32>,
      %mul3A_121 = arith.constant 64 : i32
      %mul3A_122 = vector.broadcast %mul3A_121 : i32 to vector<16xi32>
      %mul3A_123 = arith.muli %get3A_120, %mul3A_122 : vector<16xi32>
      %get3A_124 = arith.index_cast %add3A_119 : i32 to index
      %get3A_125 = tpu.vector_load %arg6[%get3A_124] {strides = array<i32>} : memref<16384xi32, #tpu.memory_space<vmem>>, vector<16xi32>,
      %add3A_126 = arith.addi %mul3A_123, %get3A_125 : vector<16xi32>
      %swap3A_127 = arith.index_cast %scan3A_115 : i32 to index
      %swap3A_128 = arith.constant 0 : index
      %swap3A_129 = tpu.vector_load %arg8[%swap3A_127, %swap3A_128] {strides = array<i32>} : memref<128x128xi32, #tpu.memory_space<vmem>>, vector<16xi32>,
      tpu.vector_store %arg8[%swap3A_127, %swap3A_128], %add3A_126 {strides = array<i32>} : memref<128x128xi32, #tpu.memory_space<vmem>>, vector<16xi32>,
      %mul3A_130 = arith.constant 128 : i32
      %mul3A_131 = arith.muli %scan3A_115, %mul3A_130 : i32
      %add3A_132 = arith.constant 16 : i32
      %add3A_133 = arith.addi %mul3A_131, %add3A_132 : i32
      %get3A_134 = arith.index_cast %add3A_133 : i32 to index
      %get3A_135 = tpu.vector_load %arg7[%get3A_134] {strides = array<i32>} : memref<16384xi32, #tpu.memory_space<vmem>>, vector<16xi32>,
      %mul3A_136 = arith.constant 64 : i32
      %mul3A_137 = vector.broadcast %mul3A_136 : i32 to vector<16xi32>
      %mul3A_138 = arith.muli %get3A_135, %mul3A_137 : vector<16xi32>
      %get3A_139 = arith.index_cast %add3A_133 : i32 to index
      %get3A_140 = tpu.vector_load %arg6[%get3A_139] {strides = array<i32>} : memref<16384xi32, #tpu.memory_space<vmem>>, vector<16xi32>,
      %add3A_141 = arith.addi %mul3A_138, %get3A_140 : vector<16xi32>
      %swap3A_142 = arith.index_cast %scan3A_115 : i32 to index
      %swap3A_143 = arith.constant 16 : index
      %swap3A_144 = tpu.vector_load %arg8[%swap3A_142, %swap3A_143] {strides = array<i32>} : memref<128x128xi32, #tpu.memory_space<vmem>>, vector<16xi32>,
      tpu.vector_store %arg8[%swap3A_142, %swap3A_143], %add3A_141 {strides = array<i32>} : memref<128x128xi32, #tpu.memory_space<vmem>>, vector<16xi32>,
      %mul3A_145 = arith.constant 128 : i32
      %mul3A_146 = arith.muli %scan3A_115, %mul3A_145 : i32
      %add3A_147 = arith.constant 32 : i32
      %add3A_148 = arith.addi %mul3A_146, %add3A_147 : i32
      %get3A_149 = arith.index_cast %add3A_148 : i32 to index
      %get3A_150 = tpu.vector_load %arg7[%get3A_149] {strides = array<i32>} : memref<16384xi32, #tpu.memory_space<vmem>>, vector<16xi32>,
      %mul3A_151 = arith.constant 64 : i32
      %mul3A_152 = vector.broadcast %mul3A_151 : i32 to vector<16xi32>
      %mul3A_153 = arith.muli %get3A_150, %mul3A_152 : vector<16xi32>
      %get3A_154 = arith.index_cast %add3A_148 : i32 to index
      %get3A_155 = tpu.vector_load %arg6[%get3A_154] {strides = array<i32>} : memref<16384xi32, #tpu.memory_space<vmem>>, vector<16xi32>,
      %add3A_156 = arith.addi %mul3A_153, %get3A_155 : vector<16xi32>
      %swap3A_157 = arith.index_cast %scan3A_115 : i32 to index
      %swap3A_158 = arith.constant 32 : index
      %swap3A_159 = tpu.vector_load %arg8[%swap3A_157, %swap3A_158] {strides = array<i32>} : memref<128x128xi32, #tpu.memory_space<vmem>>, vector<16xi32>,
      tpu.vector_store %arg8[%swap3A_157, %swap3A_158], %add3A_156 {strides = array<i32>} : memref<128x128xi32, #tpu.memory_space<vmem>>, vector<16xi32>,
      %mul3A_160 = arith.constant 128 : i32
      %mul3A_161 = arith.muli %scan3A_115, %mul3A_160 : i32
      %add3A_162 = arith.constant 48 : i32
      %add3A_163 = arith.addi %mul3A_161, %add3A_162 : i32
      %get3A_164 = arith.index_cast %add3A_163 : i32 to index
      %get3A_165 = tpu.vector_load %arg7[%get3A_164] {strides = array<i32>} : memref<16384xi32, #tpu.memory_space<vmem>>, vector<16xi32>,
      %mul3A_166 = arith.constant 64 : i32
      %mul3A_167 = vector.broadcast %mul3A_166 : i32 to vector<16xi32>
      %mul3A_168 = arith.muli %get3A_165, %mul3A_167 : vector<16xi32>
      %get3A_169 = arith.index_cast %add3A_163 : i32 to index
      %get3A_170 = tpu.vector_load %arg6[%get3A_169] {strides = array<i32>} : memref<16384xi32, #tpu.memory_space<vmem>>, vector<16xi32>,
      %add3A_171 = arith.addi %mul3A_168, %get3A_170 : vector<16xi32>
      %swap3A_172 = arith.index_cast %scan3A_115 : i32 to index
      %swap3A_173 = arith.constant 48 : index
      %swap3A_174 = tpu.vector_load %arg8[%swap3A_172, %swap3A_173] {strides = array<i32>} : memref<128x128xi32, #tpu.memory_space<vmem>>, vector<16xi32>,
      tpu.vector_store %arg8[%swap3A_172, %swap3A_173], %add3A_171 {strides = array<i32>} : memref<128x128xi32, #tpu.memory_space<vmem>>, vector<16xi32>,
      %mul3A_175 = arith.constant 128 : i32
      %mul3A_176 = arith.muli %scan3A_115, %mul3A_175 : i32
      %add3A_177 = arith.constant 64 : i32
      %add3A_178 = arith.addi %mul3A_176, %add3A_177 : i32
      %get3A_179 = arith.index_cast %add3A_178 : i32 to index
      %get3A_180 = tpu.vector_load %arg7[%get3A_179] {strides = array<i32>} : memref<16384xi32, #tpu.memory_space<vmem>>, vector<16xi32>,
      %mul3A_181 = arith.constant 64 : i32
      %mul3A_182 = vector.broadcast %mul3A_181 : i32 to vector<16xi32>
      %mul3A_183 = arith.muli %get3A_180, %mul3A_182 : vector<16xi32>
      %get3A_184 = arith.index_cast %add3A_178 : i32 to index
      %get3A_185 = tpu.vector_load %arg6[%get3A_184] {strides = array<i32>} : memref<16384xi32, #tpu.memory_space<vmem>>, vector<16xi32>,
      %add3A_186 = arith.addi %mul3A_183, %get3A_185 : vector<16xi32>
      %swap3A_187 = arith.index_cast %scan3A_115 : i32 to index
      %swap3A_188 = arith.constant 64 : index
      %swap3A_189 = tpu.vector_load %arg8[%swap3A_187, %swap3A_188] {strides = array<i32>} : memref<128x128xi32, #tpu.memory_space<vmem>>, vector<16xi32>,
      tpu.vector_store %arg8[%swap3A_187, %swap3A_188], %add3A_186 {strides = array<i32>} : memref<128x128xi32, #tpu.memory_space<vmem>>, vector<16xi32>,
      %mul3A_190 = arith.constant 128 : i32
      %mul3A_191 = arith.muli %scan3A_115, %mul3A_190 : i32
      %add3A_192 = arith.constant 80 : i32
      %add3A_193 = arith.addi %mul3A_191, %add3A_192 : i32
      %get3A_194 = arith.index_cast %add3A_193 : i32 to index
      %get3A_195 = tpu.vector_load %arg7[%get3A_194] {strides = array<i32>} : memref<16384xi32, #tpu.memory_space<vmem>>, vector<16xi32>,
      %mul3A_196 = arith.constant 64 : i32
      %mul3A_197 = vector.broadcast %mul3A_196 : i32 to vector<16xi32>
      %mul3A_198 = arith.muli %get3A_195, %mul3A_197 : vector<16xi32>
      %get3A_199 = arith.index_cast %add3A_193 : i32 to index
      %get3A_200 = tpu.vector_load %arg6[%get3A_199] {strides = array<i32>} : memref<16384xi32, #tpu.memory_space<vmem>>, vector<16xi32>,
      %add3A_201 = arith.addi %mul3A_198, %get3A_200 : vector<16xi32>
      %swap3A_202 = arith.index_cast %scan3A_115 : i32 to index
      %swap3A_203 = arith.constant 80 : index
      %swap3A_204 = tpu.vector_load %arg8[%swap3A_202, %swap3A_203] {strides = array<i32>} : memref<128x128xi32, #tpu.memory_space<vmem>>, vector<16xi32>,
      tpu.vector_store %arg8[%swap3A_202, %swap3A_203], %add3A_201 {strides = array<i32>} : memref<128x128xi32, #tpu.memory_space<vmem>>, vector<16xi32>,
      %mul3A_205 = arith.constant 128 : i32
      %mul3A_206 = arith.muli %scan3A_115, %mul3A_205 : i32
      %add3A_207 = arith.constant 96 : i32
      %add3A_208 = arith.addi %mul3A_206, %add3A_207 : i32
      %get3A_209 = arith.index_cast %add3A_208 : i32 to index
      %get3A_210 = tpu.vector_load %arg7[%get3A_209] {strides = array<i32>} : memref<16384xi32, #tpu.memory_space<vmem>>, vector<16xi32>,
      %mul3A_211 = arith.constant 64 : i32
      %mul3A_212 = vector.broadcast %mul3A_211 : i32 to vector<16xi32>
      %mul3A_213 = arith.muli %get3A_210, %mul3A_212 : vector<16xi32>
      %get3A_214 = arith.index_cast %add3A_208 : i32 to index
      %get3A_215 = tpu.vector_load %arg6[%get3A_214] {strides = array<i32>} : memref<16384xi32, #tpu.memory_space<vmem>>, vector<16xi32>,
      %add3A_216 = arith.addi %mul3A_213, %get3A_215 : vector<16xi32>
      %swap3A_217 = arith.index_cast %scan3A_115 : i32 to index
      %swap3A_218 = arith.constant 96 : index
      %swap3A_219 = tpu.vector_load %arg8[%swap3A_217, %swap3A_218] {strides = array<i32>} : memref<128x128xi32, #tpu.memory_space<vmem>>, vector<16xi32>,
      tpu.vector_store %arg8[%swap3A_217, %swap3A_218], %add3A_216 {strides = array<i32>} : memref<128x128xi32, #tpu.memory_space<vmem>>, vector<16xi32>,
      %mul3A_220 = arith.constant 128 : i32
      %mul3A_221 = arith.muli %scan3A_115, %mul3A_220 : i32
      %add3A_222 = arith.constant 112 : i32
      %add3A_223 = arith.addi %mul3A_221, %add3A_222 : i32
      %get3A_224 = arith.index_cast %add3A_223 : i32 to index
      %get3A_225 = tpu.vector_load %arg7[%get3A_224] {strides = array<i32>} : memref<16384xi32, #tpu.memory_space<vmem>>, vector<16xi32>,
      %mul3A_226 = arith.constant 64 : i32
      %mul3A_227 = vector.broadcast %mul3A_226 : i32 to vector<16xi32>
      %mul3A_228 = arith.muli %get3A_225, %mul3A_227 : vector<16xi32>
      %get3A_229 = arith.index_cast %add3A_223 : i32 to index
      %get3A_230 = tpu.vector_load %arg6[%get3A_229] {strides = array<i32>} : memref<16384xi32, #tpu.memory_space<vmem>>, vector<16xi32>,
      %add3A_231 = arith.addi %mul3A_228, %get3A_230 : vector<16xi32>
      %swap3A_232 = arith.index_cast %scan3A_115 : i32 to index
      %swap3A_233 = arith.constant 112 : index
      %swap3A_234 = tpu.vector_load %arg8[%swap3A_232, %swap3A_233] {strides = array<i32>} : memref<128x128xi32, #tpu.memory_space<vmem>>, vector<16xi32>,
      tpu.vector_store %arg8[%swap3A_232, %swap3A_233], %add3A_231 {strides = array<i32>} : memref<128x128xi32, #tpu.memory_space<vmem>>, vector<16xi32>,
    }
    %scan3A_89 = arith.constant 128 : i32
    %barrier3A_90 = arith.constant 0 : index
    tpu.barrier barrier_id(%barrier3A_90)
    %scan3A_91 = arith.constant 0 : i32
    %scan3A_92 = arith.constant 0 : i32
    %scan3A_93 = arith.constant 128 : i32
    %scan3A_94 = arith.addi %scan3A_92, %scan3A_93 : i32
    %scan3A_95 = arith.constant 1 : i32
    scf.for %scan3A_115 = %scan3A_92 to %scan3A_94 step %scan3A_95  : i32 {
      "tpu.region"() ({
        %run_scoped3A = tpu.sem_alloc : memref<!tpu.dma_semaphore, #tpu.memory_space<semaphore_mem>>
        %dma_start3A = arith.constant 0 : i32
        %dma_start3A_116 = tpu.memref_slice %arg8[%scan3A_115, %dma_start3A] : memref<128x128xi32, #tpu.memory_space<vmem>> -> memref<1x128xi32, #tpu.memory_space<vmem>>
        %dma_start3A_117 = tpu.memref_squeeze %dma_start3A_116 : memref<1x128xi32, #tpu.memory_space<vmem>> -> memref<128xi32, #tpu.memory_space<vmem>>
        %dma_start3A_118 = arith.constant 0 : i32
        %dma_start3A_119 = tpu.memref_slice %arg15[%dma_start3A_118] : memref<65536xi32, #tpu.memory_space<vmem_shared>> -> memref<65536xi32, #tpu.memory_space<vmem_shared>>
        tpu.enqueue_indirect_dma source(%arg10 : memref<128xi32, #tpu.memory_space<vmem>>) target(%dma_start3A_119 : memref<65536xi32, #tpu.memory_space<vmem_shared>>) offsets(%dma_start3A_117 : memref<128xi32, #tpu.memory_space<vmem>>) semaphore(%run_scoped3A : memref<!tpu.dma_semaphore, #tpu.memory_space<semaphore_mem>>) {add = true}
        %dma_wait3A = arith.constant 0 : i32
        %dma_wait3A_120 = tpu.memref_slice %arg8[%scan3A_115, %dma_wait3A] : memref<128x128xi32, #tpu.memory_space<vmem>> -> memref<1x128xi32, #tpu.memory_space<vmem>>
        %dma_wait3A_121 = tpu.memref_squeeze %dma_wait3A_120 : memref<1x128xi32, #tpu.memory_space<vmem>> -> memref<128xi32, #tpu.memory_space<vmem>>
        %dma_wait3A_122 = arith.constant 0 : i32
        %dma_wait3A_123 = tpu.memref_slice %arg15[%dma_wait3A_122] : memref<65536xi32, #tpu.memory_space<vmem_shared>> -> memref<65536xi32, #tpu.memory_space<vmem_shared>>
        tpu.wait_indirect_dma semaphore(%run_scoped3A : memref<!tpu.dma_semaphore, #tpu.memory_space<semaphore_mem>>) src(%arg10 : memref<128xi32, #tpu.memory_space<vmem>>) dst(%dma_wait3A_123 : memref<65536xi32, #tpu.memory_space<vmem_shared>>)
        tpu.yield
      }) : () -> ()
    }
    %scan3A_96 = arith.constant 128 : i32
    %barrier3A_97 = arith.constant 0 : index
    tpu.barrier barrier_id(%barrier3A_97)
    %mul3A_98 = arith.constant 4096 : i32
    %mul3A_99 = arith.muli %arg1, %mul3A_98 : i32
    "tpu.region"() ({
      %run_scoped3A = tpu.sem_alloc : memref<!tpu.dma_semaphore, #tpu.memory_space<semaphore_mem>>
      %dma_start3A = tpu.memref_slice %arg15[%mul3A_99] : memref<65536xi32, #tpu.memory_space<vmem_shared>> -> memref<4096xi32, #tpu.memory_space<vmem_shared>>
      %dma_start3A_115 = tpu.memref_slice %arg15[%mul3A_99] : memref<65536xi32, #tpu.memory_space<vmem_shared>> -> memref<4096xi32, #tpu.memory_space<vmem_shared>>
      tpu.enqueue_dma source(%dma_start3A_115 : memref<4096xi32, #tpu.memory_space<vmem_shared>>) target(%arg11 : memref<4096xi32, #tpu.memory_space<vmem>>) target_semaphore(%run_scoped3A : memref<!tpu.dma_semaphore, #tpu.memory_space<semaphore_mem>>)
      %dma_wait3A = tpu.memref_slice %arg15[%mul3A_99] : memref<65536xi32, #tpu.memory_space<vmem_shared>> -> memref<4096xi32, #tpu.memory_space<vmem_shared>>
      %dma_wait3A_116 = tpu.memref_slice %arg15[%mul3A_99] : memref<65536xi32, #tpu.memory_space<vmem_shared>> -> memref<4096xi32, #tpu.memory_space<vmem_shared>>
      tpu.wait_dma2 semaphore(%run_scoped3A : memref<!tpu.dma_semaphore, #tpu.memory_space<semaphore_mem>>) src(%dma_wait3A_116 : memref<4096xi32, #tpu.memory_space<vmem_shared>>) dst(%arg11 : memref<4096xi32, #tpu.memory_space<vmem>>)
      tpu.yield
    }) : () -> ()
    %scan3A_100 = arith.constant 0 : i32
    %scan3A_101 = arith.constant 0 : i32
    %scan3A_102 = arith.constant 4 : i32
    %scan3A_103 = arith.addi %scan3A_101, %scan3A_102 : i32
    %scan3A_104 = arith.constant 1 : i32
    scf.for %scan3A_115 = %scan3A_101 to %scan3A_103 step %scan3A_104  : i32 {
      %mul3A_116 = arith.constant 16 : i32
      %mul3A_117 = arith.muli %scan3A_115, %mul3A_116 : i32
      %add3A_118 = vector.broadcast %mul3A_117 : i32 to vector<16xi32>
      %add3A_119 = arith.addi %add3A_118, %iota3A : vector<16xi32>
      %mul3A_120 = arith.constant 64 : i32
      %mul3A_121 = vector.broadcast %mul3A_120 : i32 to vector<16xi32>
      %mul3A_122 = arith.muli %add3A_119, %mul3A_121 : vector<16xi32>
      %gather3A = tpu.vector_load_idx %arg11[%mul3A_122] : memref<4096xi32, #tpu.memory_space<vmem>>[vector<16xi32>], vector<16xi32>,
      %broadcast_in_dim3A_123 = arith.constant 0 : i32
      %broadcast_in_dim3A_124 = vector.broadcast %broadcast_in_dim3A_123 : i32 to vector<16xi32>
      %scan3A_125 = arith.constant 1 : i32
      %scan3A_126 = arith.constant 63 : i32
      %scan3A_127 = arith.addi %scan3A_125, %scan3A_126 : i32
      %scan3A_128 = arith.constant 1 : i32
      %scan3A_129:3 = scf.for %scan3A_137 = %scan3A_125 to %scan3A_127 step %scan3A_128 iter_args(%scan3A_138 = %gather3A, %scan3A_139 = %broadcast_in_dim3A_124, %scan3A_140 = %gather3A) -> (vector<16xi32>, vector<16xi32>, vector<16xi32>)  : i32 {
        %add3A_141 = vector.broadcast %scan3A_137 : i32 to vector<16xi32>
        %add3A_142 = arith.addi %mul3A_122, %add3A_141 : vector<16xi32>
        %gather3A_143 = tpu.vector_load_idx %arg11[%add3A_142] : memref<4096xi32, #tpu.memory_space<vmem>>[vector<16xi32>], vector<16xi32>,
        %gt3A_144 = arith.cmpi sgt, %gather3A_143, %scan3A_138 : vector<16xi32>
        %select_n3A = arith.select %gt3A_144, %gather3A_143, %scan3A_138 : vector<16xi1>, vector<16xi32>
        %broadcast_in_dim3A_145 = vector.broadcast %scan3A_137 : i32 to vector<16xi32>
        %select_n3A_146 = arith.select %gt3A_144, %broadcast_in_dim3A_145, %scan3A_139 : vector<16xi1>, vector<16xi32>
        %add3A_147 = arith.addi %scan3A_140, %gather3A_143 : vector<16xi32>
        scf.yield %select_n3A, %select_n3A_146, %add3A_147 : vector<16xi32>, vector<16xi32>, vector<16xi32>
      }
      %scan3A_130 = arith.constant 63 : i32
      %mul3A_131 = arith.constant 16 : i32
      %mul3A_132 = arith.muli %scan3A_115, %mul3A_131 : i32
      %swap3A_133 = arith.index_cast %mul3A_132 : i32 to index
      %swap3A_134 = tpu.vector_load %arg13[%swap3A_133] {strides = array<i32>} : memref<64xi32, #tpu.memory_space<vmem>>, vector<16xi32>,
      tpu.vector_store %arg13[%swap3A_133], %scan3A_129#1 {strides = array<i32>} : memref<64xi32, #tpu.memory_space<vmem>>, vector<16xi32>,
      %gt3A = arith.constant 0 : i32
      %gt3A_135 = vector.broadcast %gt3A : i32 to vector<16xi32>
      %gt3A_136 = arith.cmpi sgt, %scan3A_129#2, %gt3A_135 : vector<16xi32>
      tpu.vector_store_idx %arg14[%scan3A_129#1], %broadcast_in_dim3A_3 masked %gt3A_136 : memref<64xi32, #tpu.memory_space<vmem>>[vector<16xi32>], vector<16xi32>, vector<16xi1>
    }
    %scan3A_105 = arith.constant 4 : i32
    %mul3A_106 = arith.constant 64 : i32
    %mul3A_107 = arith.muli %arg1, %mul3A_106 : i32
    "tpu.region"() ({
      %run_scoped3A = tpu.sem_alloc : memref<!tpu.dma_semaphore, #tpu.memory_space<semaphore_mem>>
      %dma_start3A = tpu.memref_slice %arg16[%mul3A_107] : memref<1024xi32, #tpu.memory_space<vmem_shared>> -> memref<64xi32, #tpu.memory_space<vmem_shared>>
      %dma_start3A_115 = tpu.memref_slice %arg16[%mul3A_107] : memref<1024xi32, #tpu.memory_space<vmem_shared>> -> memref<64xi32, #tpu.memory_space<vmem_shared>>
      tpu.enqueue_dma source(%arg13 : memref<64xi32, #tpu.memory_space<vmem>>) target(%dma_start3A_115 : memref<64xi32, #tpu.memory_space<vmem_shared>>) target_semaphore(%run_scoped3A : memref<!tpu.dma_semaphore, #tpu.memory_space<semaphore_mem>>)
      %dma_wait3A = tpu.memref_slice %arg16[%mul3A_107] : memref<1024xi32, #tpu.memory_space<vmem_shared>> -> memref<64xi32, #tpu.memory_space<vmem_shared>>
      %dma_wait3A_116 = tpu.memref_slice %arg16[%mul3A_107] : memref<1024xi32, #tpu.memory_space<vmem_shared>> -> memref<64xi32, #tpu.memory_space<vmem_shared>>
      tpu.wait_dma2 semaphore(%run_scoped3A : memref<!tpu.dma_semaphore, #tpu.memory_space<semaphore_mem>>) src(%arg13 : memref<64xi32, #tpu.memory_space<vmem>>) dst(%dma_wait3A_116 : memref<64xi32, #tpu.memory_space<vmem_shared>>)
      tpu.yield
    }) : () -> ()
    %barrier3A_108 = arith.constant 0 : index
    tpu.barrier barrier_id(%barrier3A_108)
    "tpu.region"() ({
      %run_scoped3A = tpu.sem_alloc : memref<!tpu.dma_semaphore, #tpu.memory_space<semaphore_mem>>
      tpu.enqueue_dma source(%arg16 : memref<1024xi32, #tpu.memory_space<vmem_shared>>) target(%arg12 : memref<1024xi32, #tpu.memory_space<vmem>>) target_semaphore(%run_scoped3A : memref<!tpu.dma_semaphore, #tpu.memory_space<semaphore_mem>>)
      tpu.wait_dma2 semaphore(%run_scoped3A : memref<!tpu.dma_semaphore, #tpu.memory_space<semaphore_mem>>) src(%arg16 : memref<1024xi32, #tpu.memory_space<vmem_shared>>) dst(%arg12 : memref<1024xi32, #tpu.memory_space<vmem>>)
      tpu.yield
    }) : () -> ()
    %scan3A_109 = arith.constant 0 : i32
    %scan3A_110 = arith.constant 0 : i32
    %scan3A_111 = arith.constant 1024 : i32
    %scan3A_112 = arith.addi %scan3A_110, %scan3A_111 : i32
    %scan3A_113 = arith.constant 1 : i32
    scf.for %scan3A_115 = %scan3A_110 to %scan3A_112 step %scan3A_113  : i32 {
      %mul3A_116 = arith.constant 16 : i32
      %mul3A_117 = arith.muli %scan3A_115, %mul3A_116 : i32
      %get3A = arith.index_cast %mul3A_117 : i32 to index
      %get3A_118 = tpu.vector_load %arg7[%get3A] {strides = array<i32>} : memref<16384xi32, #tpu.memory_space<vmem>>, vector<16xi32>,
      %gather3A = tpu.vector_load_idx %arg12[%get3A_118] : memref<1024xi32, #tpu.memory_space<vmem>>[vector<16xi32>], vector<16xi32>,
      %mul3A_119 = arith.constant 16 : i32
      %mul3A_120 = arith.muli %scan3A_115, %mul3A_119 : i32
      %swap3A_121 = arith.index_cast %mul3A_120 : i32 to index
      %swap3A_122 = tpu.vector_load %arg9[%swap3A_121] {strides = array<i32>} : memref<16384xi32, #tpu.memory_space<vmem>>, vector<16xi32>,
      tpu.vector_store %arg9[%swap3A_121], %gather3A {strides = array<i32>} : memref<16384xi32, #tpu.memory_space<vmem>>, vector<16xi32>,
    }
    %scan3A_114 = arith.constant 1024 : i32
    "tpu.region"() ({
      %run_scoped3A = tpu.sem_alloc : memref<!tpu.dma_semaphore, #tpu.memory_space<semaphore_mem>>
      %dma_start3A = tpu.memref_slice %arg4[%add3A_73, %mul3A_75] : memref<4x262144xi32, #tpu.memory_space<hbm>> -> memref<1x16384xi32, #tpu.memory_space<hbm>>
      %dma_start3A_115 = tpu.memref_squeeze %dma_start3A : memref<1x16384xi32, #tpu.memory_space<hbm>> -> memref<16384xi32, #tpu.memory_space<hbm>>
      %dma_start3A_116 = tpu.memref_slice %arg4[%add3A_73, %mul3A_75] : memref<4x262144xi32, #tpu.memory_space<hbm>> -> memref<1x16384xi32, #tpu.memory_space<hbm>>
      %dma_start3A_117 = tpu.memref_squeeze %dma_start3A_116 : memref<1x16384xi32, #tpu.memory_space<hbm>> -> memref<16384xi32, #tpu.memory_space<hbm>>
      tpu.enqueue_dma source(%arg9 : memref<16384xi32, #tpu.memory_space<vmem>>) target(%dma_start3A_117 : memref<16384xi32, #tpu.memory_space<hbm>>) target_semaphore(%run_scoped3A : memref<!tpu.dma_semaphore, #tpu.memory_space<semaphore_mem>>)
      %dma_wait3A = tpu.memref_slice %arg4[%add3A_73, %mul3A_75] : memref<4x262144xi32, #tpu.memory_space<hbm>> -> memref<1x16384xi32, #tpu.memory_space<hbm>>
      %dma_wait3A_118 = tpu.memref_squeeze %dma_wait3A : memref<1x16384xi32, #tpu.memory_space<hbm>> -> memref<16384xi32, #tpu.memory_space<hbm>>
      %dma_wait3A_119 = tpu.memref_slice %arg4[%add3A_73, %mul3A_75] : memref<4x262144xi32, #tpu.memory_space<hbm>> -> memref<1x16384xi32, #tpu.memory_space<hbm>>
      %dma_wait3A_120 = tpu.memref_squeeze %dma_wait3A_119 : memref<1x16384xi32, #tpu.memory_space<hbm>> -> memref<16384xi32, #tpu.memory_space<hbm>>
      tpu.wait_dma2 semaphore(%run_scoped3A : memref<!tpu.dma_semaphore, #tpu.memory_space<semaphore_mem>>) src(%arg9 : memref<16384xi32, #tpu.memory_space<vmem>>) dst(%dma_wait3A_120 : memref<16384xi32, #tpu.memory_space<hbm>>)
      tpu.yield
    }) : () -> ()
    "tpu.region"() ({
      %run_scoped3A = tpu.sem_alloc : memref<!tpu.dma_semaphore, #tpu.memory_space<semaphore_mem>>
      %dma_start3A = arith.constant 0 : i32
      %dma_start3A_115 = tpu.memref_slice %arg5[%add3A, %dma_start3A] : memref<32x64xi32, #tpu.memory_space<hbm>> -> memref<1x64xi32, #tpu.memory_space<hbm>>
      %dma_start3A_116 = tpu.memref_squeeze %dma_start3A_115 : memref<1x64xi32, #tpu.memory_space<hbm>> -> memref<64xi32, #tpu.memory_space<hbm>>
      %dma_start3A_117 = arith.constant 0 : i32
      %dma_start3A_118 = tpu.memref_slice %arg5[%add3A, %dma_start3A_117] : memref<32x64xi32, #tpu.memory_space<hbm>> -> memref<1x64xi32, #tpu.memory_space<hbm>>
      %dma_start3A_119 = tpu.memref_squeeze %dma_start3A_118 : memref<1x64xi32, #tpu.memory_space<hbm>> -> memref<64xi32, #tpu.memory_space<hbm>>
      tpu.enqueue_dma source(%arg14 : memref<64xi32, #tpu.memory_space<vmem>>) target(%dma_start3A_119 : memref<64xi32, #tpu.memory_space<hbm>>) target_semaphore(%run_scoped3A : memref<!tpu.dma_semaphore, #tpu.memory_space<semaphore_mem>>)
      %dma_wait3A = arith.constant 0 : i32
      %dma_wait3A_120 = tpu.memref_slice %arg5[%add3A, %dma_wait3A] : memref<32x64xi32, #tpu.memory_space<hbm>> -> memref<1x64xi32, #tpu.memory_space<hbm>>
      %dma_wait3A_121 = tpu.memref_squeeze %dma_wait3A_120 : memref<1x64xi32, #tpu.memory_space<hbm>> -> memref<64xi32, #tpu.memory_space<hbm>>
      %dma_wait3A_122 = arith.constant 0 : i32
      %dma_wait3A_123 = tpu.memref_slice %arg5[%add3A, %dma_wait3A_122] : memref<32x64xi32, #tpu.memory_space<hbm>> -> memref<1x64xi32, #tpu.memory_space<hbm>>
      %dma_wait3A_124 = tpu.memref_squeeze %dma_wait3A_123 : memref<1x64xi32, #tpu.memory_space<hbm>> -> memref<64xi32, #tpu.memory_space<hbm>>
      tpu.wait_dma2 semaphore(%run_scoped3A : memref<!tpu.dma_semaphore, #tpu.memory_space<semaphore_mem>>) src(%arg14 : memref<64xi32, #tpu.memory_space<vmem>>) dst(%dma_wait3A_124 : memref<64xi32, #tpu.memory_space<hbm>>)
      tpu.yield
    }) : () -> ()
    return
  }
}

module attributes {stable_mosaic.version = 14 : i64} {
  func.func @_loss_body(%arg0: i32, %arg1: memref<1x64x16384xf32, #tpu.memory_space<vmem>>, %arg2: memref<1x1x16384xi32, #tpu.memory_space<vmem>>, %arg3: memref<1x1xf32, #tpu.memory_space<smem>>) attributes {dimension_semantics = [#tpu.dimension_semantics<arbitrary>], iteration_bounds = array<i64: 64>, scalar_prefetch = 0 : i64, scratch_operands = 0 : i64, tpu.core_type = #tpu.core_type<tc>, window_params = [{transform_indices = @transform_0, window_bounds = array<i64: 1, 64, 16384>}, {transform_indices = @transform_1, window_bounds = array<i64: 1, 1, 16384>}, {transform_indices = @transform_2, window_bounds = array<i64: 1, 1>}]} {
    %get3A = arith.constant 0 : index
    %get3A_0 = arith.constant 0 : index
    %get3A_1 = arith.constant 0 : index
    %get3A_2 = vector.load %arg1[%get3A, %get3A_0, %get3A_1] : memref<1x64x16384xf32, #tpu.memory_space<vmem>>, vector<1x64x16384xf32>
    %get3A_3 = vector.shape_cast %get3A_2 : vector<1x64x16384xf32> to vector<64x16384xf32>
    %get3A_4 = arith.constant 0 : index
    %get3A_5 = arith.constant 0 : index
    %get3A_6 = arith.constant 0 : index
    %get3A_7 = vector.load %arg2[%get3A_4, %get3A_5, %get3A_6] : memref<1x1x16384xi32, #tpu.memory_space<vmem>>, vector<1x1x16384xi32>
    %get3A_8 = vector.shape_cast %get3A_7 : vector<1x1x16384xi32> to vector<16384xi32>
    %exp3A = math.exp %get3A_3 : vector<64x16384xf32>
    %reduce_sum3A = arith.constant dense<0.000000e+00> : vector<16384xf32>
    %reduce_sum3A_9 = vector.multi_reduction <add>, %exp3A, %reduce_sum3A [0] : vector<64x16384xf32> to vector<16384xf32>
    %log3A = math.log %reduce_sum3A_9 : vector<16384xf32>
    %iota3A = tpu.iota {dimensions = array<i32: 0>} : vector<64x16384xi32>
    %broadcast_in_dim3A = vector.shape_cast %get3A_8 : vector<16384xi32> to vector<1x16384xi32>
    %eq3A = vector.broadcast %broadcast_in_dim3A : vector<1x16384xi32> to vector<64x16384xi32>
    %eq3A_10 = arith.cmpi eq, %iota3A, %eq3A : vector<64x16384xi32>
    %jit3A = arith.constant 0.000000e+00 : f32
    %broadcast_in_dim3A_11 = vector.broadcast %jit3A : f32 to vector<64x16384xf32>
    %select_n3A = arith.select %eq3A_10, %get3A_3, %broadcast_in_dim3A_11 : vector<64x16384xi1>, vector<64x16384xf32>
    %reduce_sum3A_12 = arith.constant dense<0.000000e+00> : vector<16384xf32>
    %reduce_sum3A_13 = vector.multi_reduction <add>, %select_n3A, %reduce_sum3A_12 [0] : vector<64x16384xf32> to vector<16384xf32>
    %sub3A = arith.subf %log3A, %reduce_sum3A_13 : vector<16384xf32>
    %reduce_sum3A_14 = vector.shape_cast %sub3A : vector<16384xf32> to vector<1x16384xf32>
    %reduce_sum3A_15 = arith.constant dense<0.000000e+00> : vector<1xf32>
    %reduce_sum3A_16 = vector.multi_reduction <add>, %reduce_sum3A_14, %reduce_sum3A_15 [1] : vector<1x16384xf32> to vector<1xf32>
    %reduce_sum3A_17 = vector.shape_cast %reduce_sum3A_16 : vector<1xf32> to vector<1x1xf32>
    %reduce_sum3A_18 = vector.extract %reduce_sum3A_17[0, 0] : f32 from vector<1x1xf32>
    %eq3A_19 = arith.constant 0 : i32
    %eq3A_20 = arith.cmpi eq, %arg0, %eq3A_19 : i32
    %convert_element_type3A = arith.extui %eq3A_20 : i1 to i32
    %cond3A = arith.constant 0 : i32
    %cond3A_21 = arith.cmpi ne, %convert_element_type3A, %cond3A : i32
    scf.if %cond3A_21 {
      %swap3A_27 = arith.constant 0.000000e+00 : f32
      %swap3A_28 = arith.constant 0 : index
      %swap3A_29 = arith.constant 0 : index
      %swap3A_30 = memref.load %arg3[%swap3A_28, %swap3A_29] : memref<1x1xf32, #tpu.memory_space<smem>>
      memref.store %swap3A_27, %arg3[%swap3A_28, %swap3A_29] : memref<1x1xf32, #tpu.memory_space<smem>>
    } else {
    }
    %get3A_22 = arith.constant 0 : index
    %get3A_23 = arith.constant 0 : index
    %get3A_24 = memref.load %arg3[%get3A_22, %get3A_23] : memref<1x1xf32, #tpu.memory_space<smem>>
    %add3A = arith.addf %get3A_24, %reduce_sum3A_18 : f32
    %swap3A = arith.constant 0 : index
    %swap3A_25 = arith.constant 0 : index
    %swap3A_26 = memref.load %arg3[%swap3A, %swap3A_25] : memref<1x1xf32, #tpu.memory_space<smem>>
    memref.store %add3A, %arg3[%swap3A, %swap3A_25] : memref<1x1xf32, #tpu.memory_space<smem>>
    return
  }
  func.func @transform_0(%arg0: i32) -> (i32, i32, i32) {
    %jit3A = arith.constant 16 : i32
    %div3A = arith.divsi %arg0, %jit3A : i32
    %sign3A = arith.constant 0 : i32
    %sign3A_0 = arith.cmpi sgt, %arg0, %sign3A : i32
    %sign3A_1 = arith.extui %sign3A_0 : i1 to i32
    %sign3A_2 = arith.constant 0 : i32
    %sign3A_3 = arith.cmpi slt, %arg0, %sign3A_2 : i32
    %sign3A_4 = arith.extui %sign3A_3 : i1 to i32
    %sign3A_5 = arith.subi %sign3A_1, %sign3A_4 : i32
    %sign3A_6 = arith.constant 0 : i32
    %sign3A_7 = arith.cmpi sgt, %jit3A, %sign3A_6 : i32
    %sign3A_8 = arith.extui %sign3A_7 : i1 to i32
    %sign3A_9 = arith.constant 0 : i32
    %sign3A_10 = arith.cmpi slt, %jit3A, %sign3A_9 : i32
    %sign3A_11 = arith.extui %sign3A_10 : i1 to i32
    %sign3A_12 = arith.subi %sign3A_8, %sign3A_11 : i32
    %ne3A = arith.cmpi ne, %sign3A_5, %sign3A_12 : i32
    %rem3A = arith.remsi %arg0, %jit3A : i32
    %ne3A_13 = arith.constant 0 : i32
    %ne3A_14 = arith.cmpi ne, %rem3A, %ne3A_13 : i32
    %and3A = arith.andi %ne3A, %ne3A_14 : i1
    %sub3A = arith.constant 1 : i32
    %sub3A_15 = arith.subi %div3A, %sub3A : i32
    %select_n3A = arith.select %and3A, %sub3A_15, %div3A : i32
    %jit3A_16 = arith.constant 16 : i32
    %eq3A = arith.constant 0 : i32
    %eq3A_17 = arith.cmpi eq, %jit3A_16, %eq3A : i32
    %jit3A_18 = arith.constant 1 : i32
    %select_n3A_19 = arith.select %eq3A_17, %jit3A_18, %jit3A_16 : i32
    %rem3A_20 = arith.remsi %arg0, %select_n3A_19 : i32
    %ne3A_21 = arith.constant 0 : i32
    %ne3A_22 = arith.cmpi ne, %rem3A_20, %ne3A_21 : i32
    %lt3A = arith.constant 0 : i32
    %lt3A_23 = arith.cmpi slt, %rem3A_20, %lt3A : i32
    %lt3A_24 = arith.constant 0 : i32
    %lt3A_25 = arith.cmpi slt, %select_n3A_19, %lt3A_24 : i32
    %ne3A_26 = arith.xori %lt3A_23, %lt3A_25 : i1
    %and3A_27 = arith.andi %ne3A_26, %ne3A_22 : i1
    %add3A = arith.addi %rem3A_20, %select_n3A_19 : i32
    %select_n3A_28 = arith.select %and3A_27, %add3A, %rem3A_20 : i32
    %c0_i32 = arith.constant 0 : i32
    %c0_i32_29 = arith.constant 0 : i32
    return %select_n3A, %c0_i32, %select_n3A_28 : i32, i32, i32
  }
  func.func @transform_1(%arg0: i32) -> (i32, i32, i32) {
    %c0_i32 = arith.constant 0 : i32
    %c0_i32_0 = arith.constant 0 : i32
    %c0_i32_1 = arith.constant 0 : i32
    return %arg0, %c0_i32, %c0_i32_0 : i32, i32, i32
  }
  func.func @transform_2(%arg0: i32) -> (i32, i32) {
    %c0_i32 = arith.constant 0 : i32
    %c0_i32_0 = arith.constant 0 : i32
    %c0_i32_1 = arith.constant 0 : i32
    return %c0_i32, %c0_i32_0 : i32, i32
  }
}

</mosaic_0001>

<sc_bundles>
// kernel: kernel.4.cloned.1.call-start
scs
__scs_entry_jumppad:
0x0: {  	(pc) =	sbr.rel $0x88, $3  }
0x1: {  	(tag) =	ssettag $0x0;
	lr =	simm.s32 $0x1  }
0x2: {  	[smem:$0x3F9E] =	sst lr;
	_ =	strace $0xD0000000  }
0x3: {  	_ = 	snop  }
0x4: {  	_ = 	snop  }
0x5: {  	_ = 	snop  }
0x6: {  	_ = 	snop  }
0x7: {  	_ = 	snop  }
__scs_overlays_trampoline_lowered:
0x8: {  	[smem:$0x3FAD] =	sst s0  }
0x9: {  	[smem:$0x3FAE] =	sst s1  }
0xa: {  	[smem:$0x3FAF] =	sst s2  }
0xb: {  	[smem:$0x3FB0] =	sst s3  }
0xc: {  	[smem:$0x3FB1] =	sst s4  }
0xd: {  	[smem:$0x3FB2] =	sst s5  }
0xe: {  	[smem:$0x3FB3] =	sst s6  }
0xf: {  	[smem:$0x3FB4] =	sst s7  }
0x10: {  	[smem:$0x3FB5] =	sst s8  }
0x11: {  	[smem:$0x3FB6] =	sst s9;
	s0 =	simm.s32 @!p0 $0x0  }
0x12: {  	s1 =	sld [smem:$0x3F9C];
	s0 =	simm.s32 @p0 $0x1  }
0x13: {  	[smem:$0x3FB7] =	sst s0;
	s0 =	simm.s32 @!p1 $0x0  }
0x14: {  	s2 =	sld [smem:$0x3F9B];
	s0 =	simm.s32 @p1 $0x1  }
0x15: {  	[smem:$0x3FB8] =	sst s0;
	s0 =	simm.s32 @!p2 $0x0  }
0x16: {  	s3 =	sld [smem:$0x3FDB];
	s0 =	simm.s32 @p2 $0x1  }
0x17: {  	s4 =	simm.s32 $0x1BF5;
	[smem:$0x3FBA] =	sst s0  }
0x18: {  	s0 =	sld [smem:$0x3F9D];
	_ =	swait.ge [sflag:s4], $0x0  }
0x19: {  	s7 =	sld [smem:$0x3F9E]  }
0x1a: {  	s8 =	sadd.s32 $0xFFFFE003, lr  }
0x1b: {  	s9 =	sadd.s32 $0xFFFFFEF7, lr;
	s5 =	simm.s32 $0xFFFFFFFF;
	p2 =	slt.u32 s8, $0xFFFFF086  }
0x1c: {  	p1 =	slt.u32 s9, $0xF7A;
	s5 =	simm.s32 @!p2 $0x0  }
0x1d: {  	s5 =	simm.s32 @p1 $0x1;
	p0 =	seq.s32 s7, s2  }
0x1e: {  	s7 =	smul.u32 @!p0 $0xF7A, s2;
	p2 =	seq.s32 @!p0 s5, $0x0  }
0x1f: {  	s9 =	smul.u32 $0xF7A, s1;
	s8 =	simm.s32 @!p0 $0x1BF5;
	p2 =	por !p2, p0  }
0x20: {  	[sflag:s8] =	ssyncset.s32 @!p0 $0xFFFFF086;
	s6 =	sadd.s32 @!p0 s3, s7;
	s7 =	simm.s32 @!p0 $0x108  }
0x21: {  	s3 =	sadd.s32 s3, s9;
	s6 =	sadd.s32 @!p0 $0x88, s6;
	s7 =	simm.s32 @p2 $0x1082  }
0x22: {  	[simem:s7], [sflag:s8] =	dma.local @!p0 [hbm:s6], $0xF7A  }
0x23: {  	s9 =	sor.u32 $0xD0000000, s2;
	s6 =	simm.s32 $0x108;
	_ =	swait.ge @!p0 [sflag:s8], $0x0  }
0x24: {  	s3 =	sadd.s32 $0x88, s3;
	s6 =	simm.s32 @!p1 $0x1082;
	[sflag:s4] =	ssyncset.s32 $0xFFFFF086  }
0x25: {  	[simem:s6], [sflag:s4] =	dma.local [hbm:s3], $0xF7A  }
0x26: {  	[smem:$0x3F9E] =	sst s1;
	(tag) =	ssettag s2;
	_ =	strace s9  }
0x27: {  	s1 =	sld [smem:$0x3FAE]  }
0x28: {  	s2 =	sld [smem:$0x3FAF]  }
0x29: {  	s4 =	sld [smem:$0x3FB1]  }
0x2a: {  	p0 =	seq.s32 s5, $0x0;
	s5 =	sld [smem:$0x3FB2]  }
0x2b: {  	s6 =	sld [smem:$0x3FB3]  }
0x2c: {  	s7 =	sld [smem:$0x3FB4]  }
0x2d: {  	s3 =	simm.s32 $0x108;
	s8 =	sld [smem:$0x3FB5]  }
0x2e: {  	s3 =	simm.s32 @!p0 $0x1082;
	s9 =	sld [smem:$0x3FB6]  }
0x2f: {  	lr =	sadd.s32 s0, s3;
	s0 =	sld [smem:$0x3FAD]  }
0x30: {  	s3 =	sld [smem:$0x3FB0]  }
0x31: {  	[smem:$0x3FB9] =	sst s10  }
0x32: {  	s10 =	sld [smem:$0x3FB7];
	_ =	sdelay $0x3  }
0x33: {  	p0 =	seq.s32 s10, $0x1;
	s10 =	sld [smem:$0x3FB9];
	_ =	sdelay $0x3  }
0x34: {  	[smem:$0x3FB9] =	sst s10  }
0x35: {  	s10 =	sld [smem:$0x3FB8];
	_ =	sdelay $0x3  }
0x36: {  	p1 =	seq.s32 s10, $0x1;
	s10 =	sld [smem:$0x3FB9];
	_ =	sdelay $0x3  }
0x37: {  	[smem:$0x3FB9] =	sst s10  }
0x38: {  	s10 =	sld [smem:$0x3FBA]  }
0x39: {  	_ = 	snop;
	(pc) =	sbr.ind lr, $3  }
0x3a: {  	_ = 	snop  }
0x3b: {  	_ = 	snop  }
0x3c: {  	p2 =	seq.s32 s10, $0x1;
	s10 =	sld [smem:$0x3FB9]  }
0x3d: {  	_ =	shalt  }
0x3e: {  	_ =	shalt  }
0x3f: {  	_ =	shalt  }
0x40: {  	_ =	shalt  }
0x41: {  	_ =	shalt  }
0x42: {  	_ =	shalt  }
0x43: {  	_ =	shalt  }
0x44: {  	_ =	shalt  }
0x45: {  	_ =	shalt  }
0x46: {  	_ =	shalt  }
0x47: {  	_ =	shalt  }
0x48: {  	_ =	shalt  }
0x49: {  	_ =	shalt  }
0x4a: {  	_ =	shalt  }
0x4b: {  	_ =	shalt  }
0x4c: {  	_ =	shalt  }
0x4d: {  	_ =	shalt  }
0x4e: {  	_ =	shalt  }
0x4f: {  	_ =	shalt  }
0x50: {  	_ =	shalt  }
0x51: {  	_ =	shalt  }
0x52: {  	_ =	shalt  }
0x53: {  	_ =	shalt  }
0x54: {  	_ =	shalt  }
0x55: {  	_ =	shalt  }
0x56: {  	_ =	shalt  }
0x57: {  	_ =	shalt  }
0x58: {  	_ =	shalt  }
0x59: {  	_ =	shalt  }
0x5a: {  	_ =	shalt  }
0x5b: {  	_ =	shalt  }
0x5c: {  	_ =	shalt  }
0x5d: {  	_ =	shalt  }
0x5e: {  	_ =	shalt  }
0x5f: {  	_ =	shalt  }
0x60: {  	_ =	shalt  }
0x61: {  	_ =	shalt  }
0x62: {  	_ =	shalt  }
0x63: {  	_ =	shalt  }
0x64: {  	_ =	shalt  }
0x65: {  	_ =	shalt  }
0x66: {  	_ =	shalt  }
0x67: {  	_ =	shalt  }
0x68: {  	_ =	shalt  }
0x69: {  	_ =	shalt  }
0x6a: {  	_ =	shalt  }
0x6b: {  	_ =	shalt  }
0x6c: {  	_ =	shalt  }
0x6d: {  	_ =	shalt  }
0x6e: {  	_ =	shalt  }
0x6f: {  	_ =	shalt  }
0x70: {  	_ =	shalt  }
0x71: {  	_ =	shalt  }
0x72: {  	_ =	shalt  }
0x73: {  	_ =	shalt  }
0x74: {  	_ =	shalt  }
0x75: {  	_ =	shalt  }
0x76: {  	_ =	shalt  }
0x77: {  	_ =	shalt  }
0x78: {  	_ =	shalt  }
0x79: {  	_ =	shalt  }
0x7a: {  	_ =	shalt  }
0x7b: {  	_ =	shalt  }
0x7c: {  	_ =	shalt  }
0x7d: {  	_ =	shalt  }
0x7e: {  	_ =	shalt  }
0x7f: {  	_ =	shalt  }
0x80: {  	_ =	shalt  }
0x81: {  	_ =	shalt  }
0x82: {  	_ =	shalt  }
0x83: {  	_ =	shalt  }
0x84: {  	_ =	shalt  }
0x85: {  	_ =	shalt  }
0x86: {  	_ =	shalt  }
0x87: {  	_ =	shalt  }
.Lfunc_end0:
.L_simem_size_0:
called_computation_lowered:
.L_overlay_start_0:
0x88: {  	s2 =	sld [smem:$0x3FD9]  }
0x89: {  	s3 =	sld [smem:$0x3FFE];
	_ =	sdelay $0x1  }
0x8a: {  	s1 =	srdreg.scid  }
0x8b: {  	s0 =	sand.u32 $0x1, s1  }
0x8c: {  	s14 =	sshll.u32 s0, $0xA;
	s2 =	sadd.s32 s3, s2  }
0x8d: {  	s2 =	sadd.s32 s2, s14  }
0x8e: {  	[smem:$0x3FC5] =	sst s2  }
0x8f: {  	_ = 	snop  }
0x90: {  	s2 =	sld [smem:$0x3FD0];
	_ =	sdelay $0x2  }
0x91: {  	s15 =	simm.s32 $0xA;
	s4 =	simm.s32 $0x10  }
0x92: {  	[smem:s4], [sflag:s15] =	dma.local [hbm:s2], $0x1  }
0x93: {  	_ =	swait.eq [sflag:s15], $0x1  }
0x94: {  	[sflag:s15] =	ssyncset.done $0x0  }
0x95: {  	[sflag:s15] =	ssyncadd.s32 $0xFFFFFFFF  }
0x96: {  	s16 =	sld [smem:$0x11];
	(tm) =	ssettm $0x1  }
0x97: {  	s17 =	sld [smem:$0x3FFB];
	_ =	sdelay $0x3  }
0x98: {  	_ =	strace s17  }
0x99: {  	s3 =	sld [smem:$0x3FFC];
	_ =	sdelay $0x3  }
0x9a: {  	_ =	strace s3  }
0x9b: {  	s3 =	sld [smem:$0x3FFD];
	_ =	sdelay $0x3  }
0x9c: {  	_ =	strace s3  }
0x9d: {  	_ =	strace $0x8FFFFFFF  }
0x9e: {  	s18 =	sld [smem:$0x3FDB];
	_ =	sdelay $0x1  }
0x9f: {  	s19 =	simm.s32 $_scs_section_size  }
0xa0: {  	s5 =	simm.s32 $_size__tile_overlayer_lowered;
	s6 =	simm.s32 $_tile_overlayer_lowered  }
0xa1: {  	s22 =	simm.s32 $0x1BFF;
	s21 =	sshll.u32 s6, $0x1;
	s3 =	sadd.s32 s19, s18  }
0xa2: {  	s7 =	simm.s32 $0x0;
	s20 =	sshll.u32 s5, $0x1;
	s5 =	sadd.s32 s21, s3  }
0xa3: {  	[timem:s7], [sflag:s22] =	dma.local [hbm:s5], s20  }
0xa4: {  	_ =	swait.ge [sflag:s22], s20  }
0xa5: {  	s4 =	ssub.s32 $0x0, s20;
	[sflag:s22] =	ssyncset.done $0x0  }
0xa6: {  	[sflag:s22] =	ssyncadd.s32 s4;
	_ =	sdelay $0x1  }
0xa7: {  	s23 =	simm.s32 $0x1B8B  }
0xa8: {  	_ =	swait.ge [sflag:s23], $0x1  }
0xa9: {  	[sflag:s23] =	ssyncset.done $0x0  }
0xaa: {  	s25 =	simm.s32 $0x1B8E;
	s24 =	sld [smem:$0x3FFE];
	[sflag:s23] =	ssyncadd.s32 $0xFFFFFFFF  }
0xab: {  	s26 =	simm.s32 $execute0_lowered;
	[smem:$0x3FD2] =	sst s25  }
0xac: {  	s5 =	sshll.u32 s26, $0x1;
	_ =	strace $0x80000046;
	[dreg:$0x1] =	wrdreg $0xFFFFFFFF  }
0xad: {  	s28 =	simm.s32 $_size_execute0_lowered;
	s3 =	sadd.s32 s3, s5;
	[dreg:$0x0] =	wrdreg $0x0  }
0xae: {  	s5 =	sshll.u32 s28, $0x1;
	[dreg:$0x2] =	wrdreg s3  }
0xaf: {  	[dreg:$0x3] =	wrdreg s5  }
0xb0: {  	[dreg:$0x4] =	wrdreg $0xC0  }
0xb1: {  	_ =	task [dreg:s7], $0x5FFFF  }
0xb2: {  	[dreg:$0x1] =	wrdreg $0xFFFFFFFF  }
0xb3: {  	[dreg:$0x0] =	wrdreg $0x60  }
0xb4: {  	[dreg:$0x2] =	wrdreg s16  }
0xb5: {  	[dreg:$0x3] =	wrdreg s24  }
0xb6: {  	[dreg:$0x4] =	wrdreg $0x115800  }
0xb7: {  	[dreg:$0x5] =	wrdreg $0x125800  }
0xb8: {  	[dreg:$0x6] =	wrdreg $0x9  }
0xb9: {  	_ =	task.clear_ibuf [dreg:s7], $0x7FFFF;
	_ =	strace $0x90000046  }
0xba: {  	s29 =	simm.s32 $0x9;
	_ =	strace $0x80000048  }
0xbb: {  	_ =	swait.ge [sflag:s29], $0x1  }
0xbc: {  	[sflag:s29] =	ssyncadd.s32 $0xFFFFFFFF  }
0xbd: {  	_ =	strace $0x90000048  }
0xbe: {  	_ =	sfence  }
0xbf: {  	s30 =	sld [smem:$0x0];
	_ =	sdelay $0x2  }
0xc0: {  	s31 =	sshll.u32 s1, $0xD;
	s1 =	sshrl.u32 s1, $0x2  }
0xc1: {  	s3 =	sand.u32 $0x4000, s31;
	s1 =	sadd.s32 s1, s30  }
0xc2: {  	s0 =	sor.u32 s3, s0;
	s1 =	sshll.u32 s1, $0x11  }
0xc3: {  	s0 =	sor.u32 s1, s0  }
0xc4: {  	s0 =	sadd.s32 $0x8F2B, s0  }
0xc5: {  	[sflag:s0] =	ssyncadd.remote.s32 $0x1  }
0xc6: {  	_ =	sfence.sel $0xFFFF  }
0xc7: {  	[dreg:$0x0] =	wrdreg $0xFFFFFFFF;
	(pc) =	sbr.abs _section_cstart, $3  }
0xc8: {  	[dreg:$0x1] =	wrdreg $0xFFFFFFFF  }
0xc9: {  	_ =	task.clear_ibuf [dreg:s7], $0x2FFFF;
	_ =	strace $0x9FFFFFFF  }
0xca: {  	(tm) =	ssettm $0x7FFFFFFF  }
0xcb: {  	_ =	shalt  }
tec
execute0_lowered:
.L_overlay_start_1:
0x0: {  	(tag) =	ssettag $0x1  }
0x1: {  	s10 =	rddreg [dreg:$0x0]  }
0x2: {  	s5 =	rddreg [dreg:$0x1]  }
0x3: {  	s1 =	rddreg [dreg:$0x2]  }
0x4: {  	s2 =	rddreg [dreg:$0x3]  }
0x5: {  	s0 =	rddreg [dreg:$0x4]  }
0x6: {  	s4 =	simm.s32 $0x0;
	s3 =	stileid.u32;
	s6 =	srdreg.scid  }
0x7: {  	s17 =	simm.s32 $0x80;
	s18 =	simm.s32 $0x200;
	s19 =	simm.s32 $0x4000  }
0x8: {  	s20 =	simm.s32 $0x10000;
	s21 =	simm.s32 $0x11500;
	s22 =	simm.s32 $0x11480  }
0x9: {  	s23 =	simm.s32 $0x11080;
	s24 =	simm.s32 $0xC000;
	s25 =	simm.s32 $0x0  }
0xa: {  	[smem:$0x7FF] =	sst s4;
	s11 =	sadd.s32 $0xA00, s5;
	s12 =	sadd.s32 $0x20A00, s5  }
0xb: {  	s7 =	sshll.u32 s3, $0x4;
	s6 =	sand.u32 $0x1, s6;
	s28 =	sshll.u32 s3, $0x10  }
0xc: {  	s30 =	sshll.u32 s3, $0xC;
	s31 =	sshll.u32 s3, $0x6;
	_ =	strace $0x80000047  }
0xd: {  	s8 =	ssub.s32 $0x2, s6;
	s13 =	sshll.u32 s6, $0x8;
	s14 =	sadd.s32 s7, s5  }
0xe: {  	s5 =	sadd.s32 s30, s1;
	s29 =	sshrl.u32 s8, $0x1;
	s6 =	sor.u32 s13, s28  }
0xf: {  	s13 =	sadd.s32 s13, s14;
	s15 =	ssub.s32 s8, s29;
	s9 =	sshrl.u32 s6, $0x3  }
0x10: {  	s8 =	sadd.s32 s31, s2;
	s13 =	sadd.s32 $0x40A00, s13;
	s6 =	sadd.s32 s10, s9  }
0x11: {  	s7 =	sadd.s32 s11, s9;
	s16 =	sor.u32 $0x10, s9;
	s9 =	sadd.s32 s12, s9  }
0x12: {  	v2 =	vlaneseq.u32;
	s14 =	smax.u32 s15, $0x1;
	s15 =	simm.s32 $0x10080;
	s10 =	sadd.s32 s10, s16  }
0x13: {  	v0 =	vimm.s32 $0x0;
	v1 =	vimm.s32 $0x1;
	v2 =	vmul.u32 $0x40, v2;
	s11 =	sadd.s32 s11, s16;
	s12 =	sadd.s32 s12, s16;
	s16 =	simm.s32 $0x1  }
.LBB2_1:
0x14: {  	[tilespmem:$0x11500] =	vst v0  }
0x15: {  	[tilespmem:$0x11510] =	vst v0  }
0x16: {  	[tilespmem:$0x11520] =	vst v0  }
0x17: {  	[tilespmem:$0x11530] =	vst v0  }
0x18: {  	[tilespmem:$0x10000] =	vst v1  }
0x19: {  	[tilespmem:$0x10010] =	vst v1  }
0x1a: {  	[tilespmem:$0x10020] =	vst v1  }
0x1b: {  	[tilespmem:$0x10030] =	vst v1  }
0x1c: {  	[tilespmem:$0x10040] =	vst v1  }
0x1d: {  	[tilespmem:$0x10050] =	vst v1  }
0x1e: {  	[tilespmem:$0x10060] =	vst v1  }
0x1f: {  	[tilespmem:$0x10070] =	vst v1;
	s26 =	simm.s32 $0x40;
	s28 =	simm.s32 $0x0  }
.LBB2_2:
0x20: {  	p0 =	sne.s32 s26, $0x3FC0;
	[tilespmem:s28+$0x10080] =	vst v0;
	s28 =	smov.u32 s26;
	s26 =	sadd.s32 $0x40, s26  }
.Ltmp0:
0x21: {  	(pc) =	sbr.rel @p0 .LBB2_2-.Ltmp0, $2  }
0x22: {  	_ =	sdelay $0x2  }
0x23: {  	s28 =	sshra.s32 s28, $0x2  }
0x24: {  	[tilespmem:s28+$0x10080] =	vst v0  }
0x25: {  	[spmem:s5] =	stream.linear.scatter [tilespmem:s15], [sflag:$0x1], $0x1000, $0x38;
	[tilespmem:$0x125C0] =	vst v63  }
0x26: {  	_ =	swait.ge [sflag:s16], $0x1000  }
0x27: {  	[sflag:s16] =	ssyncset.done $0x0  }
0x28: {  	s26 =	simm.s32 $0x0;
	[sflag:s16] =	ssyncadd.s32 $0xFFFFF000  }
0x29: {  	[tilespmem:s26], [sflag:$0x1] =	stream.strided.gather [hbm4b:s6+s17], $0x4000, s18, s17, $0x38;
	[tilespmem:$0x125C0] =	vst v63  }
0x2a: {  	_ =	swait.ge [sflag:s16], $0x4000  }
0x2b: {  	[sflag:s16] =	ssyncset.done $0x0  }
0x2c: {  	[sflag:s16] =	ssyncadd.s32 $0xFFFFC000  }
0x2d: {  	[tilespmem:s19], [sflag:$0x1] =	stream.strided.gather [hbm4b:s7+s17], $0x4000, s18, s17, $0x38;
	[tilespmem:$0x125C0] =	vst v63  }
0x2e: {  	_ =	swait.ge [sflag:s16], $0x4000  }
0x2f: {  	[sflag:s16] =	ssyncset.done $0x0  }
0x30: {  	s26 =	simm.s32 $0x0;
	[sflag:s16] =	ssyncadd.s32 $0xFFFFC000  }
0x31: {  	v3 =	vld [tilespmem:s26+$0x4070]  }
0x32: {  	v4 =	vld [tilespmem:s26+$0x70]  }
0x33: {  	v5 =	vld [tilespmem:s26+$0x4000]  }
0x34: {  	v6 =	vld [tilespmem:s26+$0x4010]  }
0x35: {  	v7 =	vld [tilespmem:s26+$0x4020]  }
0x36: {  	v9 =	vld [tilespmem:s26+$0x4030]  }
0x37: {  	v12 =	vld [tilespmem:s26+$0x4040]  }
0x38: {  	v11 =	vld [tilespmem:s26+$0x0]  }
0x39: {  	v13 =	vld [tilespmem:s26+$0x10];
	v3 =	vshll.u32 v3, $0x6  }
0x3a: {  	v3 =	vadd.s32 v4, v3;
	v4 =	vld [tilespmem:s26+$0x4050]  }
0x3b: {  	[tilespmem:s26+$0x8070] =	vst v3;
	v3 =	vld [tilespmem:s26+$0x4060]  }
0x3c: {  	v10 =	vld [tilespmem:s26+$0x20]  }
0x3d: {  	v8 =	vld [tilespmem:s26+$0x30]  }
0x3e: {  	v14 =	vshll.u32 v5, $0x6;
	v5 =	vld [tilespmem:s26+$0x40];
	v15 =	vshll.u32 v6, $0x6;
	v9 =	vshll.u32 v9, $0x6  }
0x3f: {  	v6 =	vld [tilespmem:s26+$0x50];
	v14 =	vadd.s32 v11, v14;
	v11 =	vshll.u32 v7, $0x6;
	v7 =	vshll.u32 v12, $0x6  }
0x40: {  	s28 =	simm.s32 $0x80;
	s29 =	simm.s32 $0x400;
	v13 =	vadd.s32 v13, v15;
	v12 =	vld [tilespmem:s26+$0x60];
	[tilespmem:s26+$0x8000] =	vst v14;
	v4 =	vshll.u32 v4, $0x6;
	v3 =	vshll.u32 v3, $0x6  }
.LBB2_4:
0x41: {  	p0 =	sne.s32 s29, $0xFE00;
	v14 =	vld [tilespmem:s28+$0x4070];
	[tilespmem:s26+$0x8010] =	vst v13;
	v10 =	vadd.s32 v10, v11  }
0x42: {  	v11 =	vld [tilespmem:s28+$0x70];
	[tilespmem:s26+$0x8020] =	vst v10;
	v8 =	vadd.s32 v8, v9  }
0x43: {  	v9 =	vld [tilespmem:s28+$0x4000];
	[tilespmem:s26+$0x8030] =	vst v8;
	v5 =	vadd.s32 v5, v7  }
0x44: {  	v7 =	vld [tilespmem:s28+$0x4010];
	[tilespmem:s26+$0x8040] =	vst v5;
	v4 =	vadd.s32 v6, v4  }
0x45: {  	v5 =	vld [tilespmem:s28+$0x4020];
	[tilespmem:s26+$0x8050] =	vst v4;
	v3 =	vadd.s32 v12, v3  }
0x46: {  	v4 =	vld [tilespmem:s28+$0x4030];
	v6 =	vshll.u32 v14, $0x6;
	[tilespmem:s26+$0x8060] =	vst v3;
	s26 =	smov.u32 s28  }
0x47: {  	v3 =	vld [tilespmem:s26+$0x4040];
	v6 =	vadd.s32 v11, v6  }
0x48: {  	v12 =	vshll.u32 v9, $0x6;
	v13 =	vld [tilespmem:s26+$0x4050];
	[tilespmem:s26+$0x8070] =	vst v6  }
0x49: {  	v14 =	vshll.u32 v7, $0x6;
	v6 =	vld [tilespmem:s26+$0x4060]  }
0x4a: {  	v15 =	vld [tilespmem:s26+$0x0];
	v11 =	vshll.u32 v5, $0x6  }
0x4b: {  	v16 =	vld [tilespmem:s26+$0x10];
	v9 =	vshll.u32 v4, $0x6  }
.Ltmp1:
0x4c: {  	v10 =	vld [tilespmem:s26+$0x20];
	v7 =	vshll.u32 v3, $0x6;
	(pc) =	sbr.rel @p0 .LBB2_4-.Ltmp1, $4  }
0x4d: {  	v8 =	vld [tilespmem:s26+$0x30];
	v4 =	vshll.u32 v13, $0x6  }
0x4e: {  	v5 =	vld [tilespmem:s26+$0x40];
	v3 =	vshll.u32 v6, $0x6  }
0x4f: {  	v12 =	vadd.s32 v15, v12;
	v6 =	vld [tilespmem:s26+$0x50]  }
0x50: {  	s28 =	sshra.s32 s29, $0x2;
	s29 =	sadd.s32 $0x200, s29;
	[tilespmem:s26+$0x8000] =	vst v12;
	v13 =	vadd.s32 v16, v14;
	v12 =	vld [tilespmem:s26+$0x60]  }
0x51: {  	v14 =	vld [tilespmem:s28+$0x4070];
	[tilespmem:s26+$0x8010] =	vst v13;
	v10 =	vadd.s32 v10, v11  }
0x52: {  	v52 =	vld [tilespmem:s28+$0x70];
	[tilespmem:s26+$0x8020] =	vst v10;
	v8 =	vadd.s32 v8, v9  }
0x53: {  	v53 =	vld [tilespmem:s28+$0x4000];
	[tilespmem:s26+$0x8030] =	vst v8;
	v5 =	vadd.s32 v5, v7  }
0x54: {  	v54 =	vld [tilespmem:s28+$0x4010];
	[tilespmem:s26+$0x8040] =	vst v5;
	v4 =	vadd.s32 v6, v4  }
0x55: {  	v5 =	vld [tilespmem:s28+$0x4020];
	[tilespmem:s26+$0x8050] =	vst v4;
	v3 =	vadd.s32 v12, v3  }
0x56: {  	v4 =	vld [tilespmem:s28+$0x4030];
	[tilespmem:s26+$0x8060] =	vst v3  }
0x57: {  	v55 =	vld [tilespmem:s28+$0x4040]  }
0x58: {  	v8 =	vld [tilespmem:s28+$0x4050]  }
0x59: {  	v10 =	vld [tilespmem:s28+$0x0]  }
0x5a: {  	v56 =	vld [tilespmem:s28+$0x10]  }
0x5b: {  	v57 =	vld [tilespmem:s28+$0x20]  }
0x5c: {  	v13 =	vld [tilespmem:s28+$0x30]  }
0x5d: {  	v3 =	vshll.u32 v14, $0x6;
	v58 =	vld [tilespmem:s28+$0x40]  }
0x5e: {  	v3 =	vadd.s32 v52, v3;
	v59 =	vld [tilespmem:s28+$0x50];
	v9 =	vshll.u32 v53, $0x6  }
0x5f: {  	[tilespmem:s28+$0x8070] =	vst v3;
	v3 =	vld [tilespmem:s28+$0x4060];
	v7 =	vshll.u32 v54, $0x6;
	v9 =	vadd.s32 v10, v9  }
0x60: {  	v60 =	vld [tilespmem:s28+$0x60];
	v5 =	vshll.u32 v5, $0x6;
	v7 =	vadd.s32 v56, v7;
	[tilespmem:s28+$0x8000] =	vst v9  }
0x61: {  	v4 =	vshll.u32 v4, $0x6;
	v5 =	vadd.s32 v57, v5;
	[tilespmem:s28+$0x8010] =	vst v7  }
0x62: {  	v6 =	vshll.u32 v55, $0x6;
	v4 =	vadd.s32 v13, v4;
	[tilespmem:s28+$0x8020] =	vst v5  }
0x63: {  	v61 =	vshll.u32 v8, $0x6;
	[tilespmem:s28+$0x8030] =	vst v4;
	v62 =	vadd.s32 v58, v6  }
0x64: {  	v3 =	vshll.u32 v3, $0x6;
	v63 =	vadd.s32 v59, v61;
	[tilespmem:s28+$0x8040] =	vst v62  }
0x65: {  	[tilespmem:s28+$0x8050] =	vst v63;
	v3 =	vadd.s32 v60, v3  }
0x66: {  	[tilespmem:s28+$0x8060] =	vst v3  }
0x67: {  	s31 =	simm.s32 $0x8000;
	[bflag:$0x0] =	sbarrier.arrive $0xFFFF  }
0x68: {  	[spmem:s1] =	stream.indirect.scatter.add.s32 [tilespmem:s20], [sflag:$0x1], $0x1, s31, s17, $0xb8;
	[tilespmem:$0x125C0] =	vst v63  }
0x69: {  	s26 =	simm.s32 $0x200;
	_ =	swait.ge [sflag:s16], $0x80  }
.LBB2_6:
0x6a: {  	s28 =	sshra.s32 s26, $0x2;
	[sflag:s16] =	ssyncset.done $0x0;
	p0 =	sne.s32 s26, $0xFE00  }
.Ltmp2:
0x6b: {  	s28 =	sadd.s32 $0x8000, s28;
	[sflag:s16] =	ssyncadd.s32 $0xFFFFFF80;
	(pc) =	sbr.rel @p0 .LBB2_6-.Ltmp2, $3  }
0x6c: {  	[spmem:s1] =	stream.indirect.scatter.add.s32 [tilespmem:s20], [sflag:$0x1], $0x1, s28, s17, $0xb8;
	[tilespmem:$0x125C0] =	vst v63  }
0x6d: {  	s26 =	sadd.s32 $0x200, s26;
	_ =	sdelay $0x1  }
0x6e: {  	_ =	swait.ge [sflag:s16], $0x80  }
0x6f: {  	[sflag:s16] =	ssyncset.done $0x0  }
0x70: {  	[sflag:s16] =	ssyncadd.s32 $0xFFFFFF80  }
0x71: {  	[bflag:$0x0] =	sbarrier.arrive $0xFFFF  }
0x72: {  	[tilespmem:s15], [sflag:$0x1] =	stream.linear.gather [spmem:s5], $0x1000, $0x38;
	[tilespmem:$0x125C0] =	vst v63  }
0x73: {  	_ =	swait.ge [sflag:s16], $0x1000  }
0x74: {  	[sflag:s16] =	ssyncset.done $0x0  }
0x75: {  	s26 =	simm.s32 $0x0;
	[sflag:s16] =	ssyncadd.s32 $0xFFFFF000  }
.LBB2_8:
0x76: {  	s28 =	sshll.u32 s26, $0x4  }
0x77: {  	v3 =	vmov s28  }
0x78: {  	v3 =	vshll.u32 v3, $0x6  }
0x79: {  	s29 =	simm.s32 $0x1;
	v3 =	vor.u32 v2, v3  }
0x7a: {  	v5 =	vor.u32 s29, v3;
	_ =	sdelay $0x3  }
0x7b: {  	s30 =	simm.s32 $0x2;
	v4 =	vld.idx.msk [tilespmem:v3+s15+$0x0], $0xffff  }
0x7c: {  	v6 =	vor.u32 s30, v3;
	v8 =	vld.idx.msk [tilespmem:v5+s15+$0x0], $0xffff;
	_ =	sdelay $0x4  }
0x7d: {  	s31 =	simm.s32 $0x3;
	v5 =	vimm.s32 $0x0;
	v6 =	vld.idx.msk [tilespmem:v6+s15+$0x0], $0xffff;
	vm0 =	vgt.s32 v8, v4;
	v7 =	vadd.s32 v4, v8  }
.LBB2_9:
0x7e: {  	p0 =	sne.s32 s31, $0x3F  }
0x7f: {  	v9 =	vor.u32 s31, v3;
	v4 =	vsel vm0, v8, v4;
	v5 =	vsel vm0, s29, v5;
	s29 =	smov.u32 s30;
	s30 =	smov.u32 s31;
	s31 =	sadd.s32 $0x1, s31  }
.Ltmp3:
0x80: {  	(pc) =	sbr.rel @p0 .LBB2_9-.Ltmp3, $2  }
0x81: {  	_ =	sdelay $0x2  }
0x82: {  	vm0 =	vgt.s32 v6, v4;
	v7 =	vadd.s32 v7, v6;
	v8 =	vmov v6;
	v6 =	vld.idx.msk [tilespmem:v9+s15+$0x0], $0xffff  }
0x83: {  	_ =	sdelay $0x3  }
0x84: {  	v3 =	vsel vm0, v8, v4;
	v63 =	vadd.s32 v7, v6  }
0x85: {  	v5 =	vsel vm0, s29, v5;
	s26 =	sadd.s32 $0x1, s26;
	vm15 =	vgt.s32 v6, v3;
	vm1 =	vgt.s32 v63, $0x0  }
0x86: {  	p0 =	sne.s32 s26, $0x4;
	v3 =	vsel vm15, s30, v5  }
.Ltmp4:
0x87: {  	_ = 	snop;
	(pc) =	sbr.rel @p0 .LBB2_8-.Ltmp4, $3  }
0x88: {  	_ =	sdelay $0x1  }
0x89: {  	[tilespmem:s28+$0x11480] =	vst v3  }
0x8a: {  	[tilespmem:v3+s21+$0x0] =	vst.idx.msk vm1, v1  }
0x8b: {  	[spmem:s8] =	stream.linear.scatter [tilespmem:s22], [sflag:$0x1], $0x40, $0x38;
	[tilespmem:$0x125C0] =	vst v63  }
0x8c: {  	_ =	swait.ge [sflag:s16], $0x40  }
0x8d: {  	[sflag:s16] =	ssyncset.done $0x0  }
0x8e: {  	[sflag:s16] =	ssyncadd.s32 $0xFFFFFFC0  }
0x8f: {  	[bflag:$0x0] =	sbarrier.arrive $0xFFFF  }
0x90: {  	[tilespmem:s23], [sflag:$0x1] =	stream.linear.gather [spmem:s2], $0x400, $0x38;
	[tilespmem:$0x125C0] =	vst v63  }
0x91: {  	_ =	swait.ge [sflag:s16], $0x400  }
0x92: {  	[sflag:s16] =	ssyncset.done $0x0  }
0x93: {  	s26 =	simm.s32 $0x0;
	[sflag:s16] =	ssyncadd.s32 $0xFFFFFC00  }
0x94: {  	v3 =	vld [tilespmem:s26+$0x4000];
	_ =	sdelay $0x7  }
0x95: {  	s28 =	simm.s32 $0x10;
	s29 =	simm.s32 $0x80;
	v3 =	vld.idx.msk [tilespmem:v3+s23+$0x0], $0xffff  }
.LBB2_12:
0x96: {  	p0 =	sne.s32 s29, $0xFFC0;
	v4 =	vld [tilespmem:s28+$0x4000];
	_ =	sdelay $0x3  }
.Ltmp5:
0x97: {  	(pc) =	sbr.rel @p0 .LBB2_12-.Ltmp5, $2  }
0x98: {  	[tilespmem:s26+$0xC000] =	vst v3;
	s26 =	smov.u32 s28;
	_ =	sdelay $0x2  }
0x99: {  	s28 =	sshra.s32 s29, $0x2;
	s29 =	sadd.s32 $0x40, s29;
	v3 =	vld.idx.msk [tilespmem:v4+s23+$0x0], $0xffff  }
0x9a: {  	v4 =	vld [tilespmem:s28+$0x4000];
	_ =	sdelay $0x6  }
0x9b: {  	[tilespmem:s26+$0xC000] =	vst v3  }
0x9c: {  	v3 =	vld.idx.msk [tilespmem:v4+s23+$0x0], $0xffff;
	_ =	sdelay $0x4  }
0x9d: {  	[tilespmem:s28+$0xC000] =	vst v3  }
0x9e: {  	[hbm4b:s9+s17] =	stream.strided.scatter [tilespmem:s24], [sflag:$0x1], $0x4000, s18, s17, $0x38;
	[tilespmem:$0x125C0] =	vst v63  }
0x9f: {  	_ =	swait.ge [sflag:s16], $0x4000  }
0xa0: {  	[sflag:s16] =	ssyncset.done $0x0  }
0xa1: {  	s26 =	simm.s32 $0x40;
	s28 =	simm.s32 $0x0;
	[sflag:s16] =	ssyncadd.s32 $0xFFFFC000  }
.LBB2_14:
0xa2: {  	p0 =	sne.s32 s26, $0x3FC0;
	[tilespmem:s28+$0x10080] =	vst v0;
	s28 =	smov.u32 s26;
	s26 =	sadd.s32 $0x40, s26  }
.Ltmp6:
0xa3: {  	(pc) =	sbr.rel @p0 .LBB2_14-.Ltmp6, $2  }
0xa4: {  	_ =	sdelay $0x2  }
0xa5: {  	s28 =	sshra.s32 s28, $0x2  }
0xa6: {  	[tilespmem:s28+$0x10080] =	vst v0  }
0xa7: {  	[spmem:s5] =	stream.linear.scatter [tilespmem:s15], [sflag:$0x1], $0x1000, $0x38;
	[tilespmem:$0x125C0] =	vst v63  }
0xa8: {  	_ =	swait.ge [sflag:s16], $0x1000  }
0xa9: {  	[sflag:s16] =	ssyncset.done $0x0  }
0xaa: {  	s26 =	simm.s32 $0x0;
	[sflag:s16] =	ssyncadd.s32 $0xFFFFF000  }
0xab: {  	[tilespmem:s26], [sflag:$0x1] =	stream.strided.gather [hbm4b:s10+s17], $0x4000, s18, s17, $0x38;
	[tilespmem:$0x125C0] =	vst v63  }
0xac: {  	_ =	swait.ge [sflag:s16], $0x4000  }
0xad: {  	[sflag:s16] =	ssyncset.done $0x0  }
0xae: {  	[sflag:s16] =	ssyncadd.s32 $0xFFFFC000  }
0xaf: {  	[tilespmem:s19], [sflag:$0x1] =	stream.strided.gather [hbm4b:s11+s17], $0x4000, s18, s17, $0x38;
	[tilespmem:$0x125C0] =	vst v63  }
0xb0: {  	_ =	swait.ge [sflag:s16], $0x4000  }
0xb1: {  	[sflag:s16] =	ssyncset.done $0x0  }
0xb2: {  	s26 =	simm.s32 $0x0;
	[sflag:s16] =	ssyncadd.s32 $0xFFFFC000  }
0xb3: {  	v3 =	vld [tilespmem:s26+$0x4070]  }
0xb4: {  	v4 =	vld [tilespmem:s26+$0x70]  }
0xb5: {  	v5 =	vld [tilespmem:s26+$0x4000]  }
0xb6: {  	v6 =	vld [tilespmem:s26+$0x4010]  }
0xb7: {  	v7 =	vld [tilespmem:s26+$0x4020]  }
0xb8: {  	v9 =	vld [tilespmem:s26+$0x4030]  }
0xb9: {  	v12 =	vld [tilespmem:s26+$0x4040]  }
0xba: {  	v11 =	vld [tilespmem:s26+$0x0]  }
0xbb: {  	v13 =	vld [tilespmem:s26+$0x10];
	v3 =	vshll.u32 v3, $0x6  }
0xbc: {  	v3 =	vadd.s32 v4, v3;
	v4 =	vld [tilespmem:s26+$0x4050]  }
0xbd: {  	[tilespmem:s26+$0x8070] =	vst v3;
	v3 =	vld [tilespmem:s26+$0x4060]  }
0xbe: {  	v10 =	vld [tilespmem:s26+$0x20]  }
0xbf: {  	v8 =	vld [tilespmem:s26+$0x30]  }
0xc0: {  	v14 =	vshll.u32 v5, $0x6;
	v5 =	vld [tilespmem:s26+$0x40];
	v15 =	vshll.u32 v6, $0x6;
	v9 =	vshll.u32 v9, $0x6  }
0xc1: {  	v6 =	vld [tilespmem:s26+$0x50];
	v14 =	vadd.s32 v11, v14;
	v11 =	vshll.u32 v7, $0x6;
	v7 =	vshll.u32 v12, $0x6  }
0xc2: {  	s28 =	simm.s32 $0x80;
	s29 =	simm.s32 $0x400;
	v13 =	vadd.s32 v13, v15;
	v12 =	vld [tilespmem:s26+$0x60];
	[tilespmem:s26+$0x8000] =	vst v14;
	v4 =	vshll.u32 v4, $0x6;
	v3 =	vshll.u32 v3, $0x6  }
.LBB2_16:
0xc3: {  	p0 =	sne.s32 s29, $0xFE00;
	v14 =	vld [tilespmem:s28+$0x4070];
	[tilespmem:s26+$0x8010] =	vst v13;
	v10 =	vadd.s32 v10, v11  }
0xc4: {  	v11 =	vld [tilespmem:s28+$0x70];
	[tilespmem:s26+$0x8020] =	vst v10;
	v8 =	vadd.s32 v8, v9  }
0xc5: {  	v9 =	vld [tilespmem:s28+$0x4000];
	[tilespmem:s26+$0x8030] =	vst v8;
	v5 =	vadd.s32 v5, v7  }
0xc6: {  	v7 =	vld [tilespmem:s28+$0x4010];
	[tilespmem:s26+$0x8040] =	vst v5;
	v4 =	vadd.s32 v6, v4  }
0xc7: {  	v5 =	vld [tilespmem:s28+$0x4020];
	[tilespmem:s26+$0x8050] =	vst v4;
	v3 =	vadd.s32 v12, v3  }
0xc8: {  	v4 =	vld [tilespmem:s28+$0x4030];
	v6 =	vshll.u32 v14, $0x6;
	[tilespmem:s26+$0x8060] =	vst v3;
	s26 =	smov.u32 s28  }
0xc9: {  	v3 =	vld [tilespmem:s26+$0x4040];
	v6 =	vadd.s32 v11, v6  }
0xca: {  	v12 =	vshll.u32 v9, $0x6;
	v13 =	vld [tilespmem:s26+$0x4050];
	[tilespmem:s26+$0x8070] =	vst v6  }
0xcb: {  	v14 =	vshll.u32 v7, $0x6;
	v6 =	vld [tilespmem:s26+$0x4060]  }
0xcc: {  	v15 =	vld [tilespmem:s26+$0x0];
	v11 =	vshll.u32 v5, $0x6  }
0xcd: {  	v16 =	vld [tilespmem:s26+$0x10];
	v9 =	vshll.u32 v4, $0x6  }
.Ltmp7:
0xce: {  	v10 =	vld [tilespmem:s26+$0x20];
	v7 =	vshll.u32 v3, $0x6;
	(pc) =	sbr.rel @p0 .LBB2_16-.Ltmp7, $4  }
0xcf: {  	v8 =	vld [tilespmem:s26+$0x30];
	v4 =	vshll.u32 v13, $0x6  }
0xd0: {  	v5 =	vld [tilespmem:s26+$0x40];
	v3 =	vshll.u32 v6, $0x6  }
0xd1: {  	v12 =	vadd.s32 v15, v12;
	v6 =	vld [tilespmem:s26+$0x50]  }
0xd2: {  	s28 =	sshra.s32 s29, $0x2;
	s29 =	sadd.s32 $0x200, s29;
	[tilespmem:s26+$0x8000] =	vst v12;
	v13 =	vadd.s32 v16, v14;
	v12 =	vld [tilespmem:s26+$0x60]  }
0xd3: {  	v14 =	vld [tilespmem:s28+$0x4070];
	[tilespmem:s26+$0x8010] =	vst v13;
	v10 =	vadd.s32 v10, v11  }
0xd4: {  	v52 =	vld [tilespmem:s28+$0x70];
	[tilespmem:s26+$0x8020] =	vst v10;
	v8 =	vadd.s32 v8, v9  }
0xd5: {  	v53 =	vld [tilespmem:s28+$0x4000];
	[tilespmem:s26+$0x8030] =	vst v8;
	v5 =	vadd.s32 v5, v7  }
0xd6: {  	v54 =	vld [tilespmem:s28+$0x4010];
	[tilespmem:s26+$0x8040] =	vst v5;
	v4 =	vadd.s32 v6, v4  }
0xd7: {  	v5 =	vld [tilespmem:s28+$0x4020];
	[tilespmem:s26+$0x8050] =	vst v4;
	v3 =	vadd.s32 v12, v3  }
0xd8: {  	v4 =	vld [tilespmem:s28+$0x4030];
	[tilespmem:s26+$0x8060] =	vst v3  }
0xd9: {  	v55 =	vld [tilespmem:s28+$0x4040]  }
0xda: {  	v8 =	vld [tilespmem:s28+$0x4050]  }
0xdb: {  	v10 =	vld [tilespmem:s28+$0x0]  }
0xdc: {  	v56 =	vld [tilespmem:s28+$0x10]  }
0xdd: {  	v57 =	vld [tilespmem:s28+$0x20]  }
0xde: {  	v13 =	vld [tilespmem:s28+$0x30]  }
0xdf: {  	v3 =	vshll.u32 v14, $0x6;
	v58 =	vld [tilespmem:s28+$0x40]  }
0xe0: {  	v3 =	vadd.s32 v52, v3;
	v59 =	vld [tilespmem:s28+$0x50];
	v9 =	vshll.u32 v53, $0x6  }
0xe1: {  	[tilespmem:s28+$0x8070] =	vst v3;
	v3 =	vld [tilespmem:s28+$0x4060];
	v7 =	vshll.u32 v54, $0x6;
	v9 =	vadd.s32 v10, v9  }
0xe2: {  	v60 =	vld [tilespmem:s28+$0x60];
	v5 =	vshll.u32 v5, $0x6;
	v7 =	vadd.s32 v56, v7;
	[tilespmem:s28+$0x8000] =	vst v9  }
0xe3: {  	v4 =	vshll.u32 v4, $0x6;
	v5 =	vadd.s32 v57, v5;
	[tilespmem:s28+$0x8010] =	vst v7  }
0xe4: {  	v6 =	vshll.u32 v55, $0x6;
	v4 =	vadd.s32 v13, v4;
	[tilespmem:s28+$0x8020] =	vst v5  }
0xe5: {  	v61 =	vshll.u32 v8, $0x6;
	[tilespmem:s28+$0x8030] =	vst v4;
	v62 =	vadd.s32 v58, v6  }
0xe6: {  	v3 =	vshll.u32 v3, $0x6;
	v63 =	vadd.s32 v59, v61;
	[tilespmem:s28+$0x8040] =	vst v62  }
0xe7: {  	[tilespmem:s28+$0x8050] =	vst v63;
	v3 =	vadd.s32 v60, v3  }
0xe8: {  	[tilespmem:s28+$0x8060] =	vst v3  }
0xe9: {  	s31 =	simm.s32 $0x8000;
	[bflag:$0x0] =	sbarrier.arrive $0xFFFF  }
0xea: {  	[spmem:s1] =	stream.indirect.scatter.add.s32 [tilespmem:s20], [sflag:$0x1], $0x1, s31, s17, $0xb8;
	[tilespmem:$0x125C0] =	vst v63  }
0xeb: {  	s26 =	simm.s32 $0x200;
	_ =	swait.ge [sflag:s16], $0x80  }
.LBB2_18:
0xec: {  	s28 =	sshra.s32 s26, $0x2;
	[sflag:s16] =	ssyncset.done $0x0;
	p0 =	sne.s32 s26, $0xFE00  }
.Ltmp8:
0xed: {  	s28 =	sadd.s32 $0x8000, s28;
	[sflag:s16] =	ssyncadd.s32 $0xFFFFFF80;
	(pc) =	sbr.rel @p0 .LBB2_18-.Ltmp8, $3  }
0xee: {  	[spmem:s1] =	stream.indirect.scatter.add.s32 [tilespmem:s20], [sflag:$0x1], $0x1, s28, s17, $0xb8;
	[tilespmem:$0x125C0] =	vst v63  }
0xef: {  	s26 =	sadd.s32 $0x200, s26;
	_ =	sdelay $0x1  }
0xf0: {  	_ =	swait.ge [sflag:s16], $0x80  }
0xf1: {  	[sflag:s16] =	ssyncset.done $0x0  }
0xf2: {  	[sflag:s16] =	ssyncadd.s32 $0xFFFFFF80  }
0xf3: {  	[bflag:$0x0] =	sbarrier.arrive $0xFFFF  }
0xf4: {  	[tilespmem:s15], [sflag:$0x1] =	stream.linear.gather [spmem:s5], $0x1000, $0x38;
	[tilespmem:$0x125C0] =	vst v63  }
0xf5: {  	_ =	swait.ge [sflag:s16], $0x1000  }
0xf6: {  	[sflag:s16] =	ssyncset.done $0x0  }
0xf7: {  	s26 =	simm.s32 $0x0;
	[sflag:s16] =	ssyncadd.s32 $0xFFFFF000  }
.LBB2_20:
0xf8: {  	s28 =	sshll.u32 s26, $0x4  }
0xf9: {  	v3 =	vmov s28  }
0xfa: {  	v3 =	vshll.u32 v3, $0x6  }
0xfb: {  	s29 =	simm.s32 $0x1;
	v3 =	vor.u32 v2, v3  }
0xfc: {  	v5 =	vor.u32 s29, v3;
	_ =	sdelay $0x3  }
0xfd: {  	s30 =	simm.s32 $0x2;
	v4 =	vld.idx.msk [tilespmem:v3+s15+$0x0], $0xffff  }
0xfe: {  	v6 =	vor.u32 s30, v3;
	v8 =	vld.idx.msk [tilespmem:v5+s15+$0x0], $0xffff;
	_ =	sdelay $0x4  }
0xff: {  	s31 =	simm.s32 $0x3;
	v5 =	vimm.s32 $0x0;
	v6 =	vld.idx.msk [tilespmem:v6+s15+$0x0], $0xffff;
	vm0 =	vgt.s32 v8, v4;
	v7 =	vadd.s32 v4, v8  }
.LBB2_21:
0x100: {  	p0 =	sne.s32 s31, $0x3F  }
0x101: {  	v9 =	vor.u32 s31, v3;
	v4 =	vsel vm0, v8, v4;
	v5 =	vsel vm0, s29, v5;
	s29 =	smov.u32 s30;
	s30 =	smov.u32 s31;
	s31 =	sadd.s32 $0x1, s31  }
.Ltmp9:
0x102: {  	(pc) =	sbr.rel @p0 .LBB2_21-.Ltmp9, $2  }
0x103: {  	_ =	sdelay $0x2  }
0x104: {  	vm0 =	vgt.s32 v6, v4;
	v7 =	vadd.s32 v7, v6;
	v8 =	vmov v6;
	v6 =	vld.idx.msk [tilespmem:v9+s15+$0x0], $0xffff  }
0x105: {  	_ =	sdelay $0x3  }
0x106: {  	v3 =	vsel vm0, v8, v4;
	v63 =	vadd.s32 v7, v6  }
0x107: {  	v5 =	vsel vm0, s29, v5;
	s26 =	sadd.s32 $0x1, s26;
	vm15 =	vgt.s32 v6, v3;
	vm1 =	vgt.s32 v63, $0x0  }
0x108: {  	p0 =	sne.s32 s26, $0x4;
	v3 =	vsel vm15, s30, v5  }
.Ltmp10:
0x109: {  	_ = 	snop;
	(pc) =	sbr.rel @p0 .LBB2_20-.Ltmp10, $3  }
0x10a: {  	_ =	sdelay $0x1  }
0x10b: {  	[tilespmem:s28+$0x11480] =	vst v3  }
0x10c: {  	[tilespmem:v3+s21+$0x0] =	vst.idx.msk vm1, v1  }
0x10d: {  	[spmem:s8] =	stream.linear.scatter [tilespmem:s22], [sflag:$0x1], $0x40, $0x38;
	[tilespmem:$0x125C0] =	vst v63  }
0x10e: {  	_ =	swait.ge [sflag:s16], $0x40  }
0x10f: {  	[sflag:s16] =	ssyncset.done $0x0  }
0x110: {  	[sflag:s16] =	ssyncadd.s32 $0xFFFFFFC0  }
0x111: {  	[bflag:$0x0] =	sbarrier.arrive $0xFFFF  }
0x112: {  	[tilespmem:s23], [sflag:$0x1] =	stream.linear.gather [spmem:s2], $0x400, $0x38;
	[tilespmem:$0x125C0] =	vst v63  }
0x113: {  	_ =	swait.ge [sflag:s16], $0x400  }
0x114: {  	[sflag:s16] =	ssyncset.done $0x0  }
0x115: {  	s26 =	simm.s32 $0x0;
	[sflag:s16] =	ssyncadd.s32 $0xFFFFFC00  }
0x116: {  	v3 =	vld [tilespmem:s26+$0x4000];
	_ =	sdelay $0x7  }
0x117: {  	s28 =	simm.s32 $0x10;
	s29 =	simm.s32 $0x80;
	v3 =	vld.idx.msk [tilespmem:v3+s23+$0x0], $0xffff  }
.LBB2_24:
0x118: {  	p0 =	sne.s32 s29, $0xFFC0;
	v4 =	vld [tilespmem:s28+$0x4000];
	_ =	sdelay $0x3  }
.Ltmp11:
0x119: {  	(pc) =	sbr.rel @p0 .LBB2_24-.Ltmp11, $2  }
0x11a: {  	[tilespmem:s26+$0xC000] =	vst v3;
	s26 =	smov.u32 s28;
	_ =	sdelay $0x2  }
0x11b: {  	s28 =	sshra.s32 s29, $0x2;
	s29 =	sadd.s32 $0x40, s29;
	v3 =	vld.idx.msk [tilespmem:v4+s23+$0x0], $0xffff  }
0x11c: {  	v4 =	vld [tilespmem:s28+$0x4000];
	_ =	sdelay $0x6  }
0x11d: {  	[tilespmem:s26+$0xC000] =	vst v3  }
0x11e: {  	v3 =	vld.idx.msk [tilespmem:v4+s23+$0x0], $0xffff;
	_ =	sdelay $0x4  }
0x11f: {  	[tilespmem:s28+$0xC000] =	vst v3  }
0x120: {  	[hbm4b:s12+s17] =	stream.strided.scatter [tilespmem:s24], [sflag:$0x1], $0x4000, s18, s17, $0x38;
	[tilespmem:$0x125C0] =	vst v63  }
0x121: {  	s25 =	sadd.s32 $0x1, s25;
	_ =	swait.ge [sflag:s16], $0x4000  }
0x122: {  	p0 =	sne.s32 s25, s14;
	[sflag:s16] =	ssyncset.done $0x0  }
.Ltmp12:
0x123: {  	[sflag:s16] =	ssyncadd.s32 $0xFFFFC000;
	(pc) =	sbr.rel @p0 .LBB2_1-.Ltmp12, $4  }
0x124: {  	[hbm4b:s13+s4] =	stream.linear.scatter [tilespmem:s21], [sflag:$0x1], $0x80, $0x38;
	[tilespmem:$0x125C0] =	vst v63  }
0x125: {  	_ =	swait.ge [sflag:s16], $0x80  }
0x126: {  	[sflag:s16] =	ssyncset.done $0x0  }
0x127: {  	[sflag:s16] =	ssyncadd.s32 $0xFFFFFF80  }
0x128: {  	_ =	sfence.sel $0x180000  }
0x129: {  	[bflag:$0x0] =	sbarrier.arrive $0xFFFF  }
0x12a: {  	p0 =	sne.s32 s3, $0x0;
	_ =	strace $0x90000047  }
0x12b: {  	s0 =	sadd.s32 @!p0 $0x100000, s0;
	[bflag:$0x2] =	sbarrier.arrive $0xFFFF  }
0x12c: {  	[sflag:s0] =	ssyncadd.tile.s32 @!p0 $0x1;
	_ =	shalt  }
.Lfunc_end2:
_tile_overlayer_lowered:
.L_overlay_start_2:
0x12d: {  	(tag) =	ssettag $0x2  }
0x12e: {  	s0 =	rddreg [dreg:$0x0];
	s2 =	stileid.u32  }
0x12f: {  	s1 =	rddreg [dreg:$0x1];
	p0 =	sne.s32 s2, $0x0  }
0x130: {  	s3 =	rddreg [dreg:$0x2];
	[bflag:$0x3] =	sbarrier.arrive $0xFFFF;
	s2 =	simm.s32 @!p0 $0x1C01  }
0x131: {  	[timem:s3], [sflag:s2] =	dma.local @!p0 [hbm:s0], s1  }
0x132: {  	s0 =	simm.s32 @!p0 $0x1  }
0x133: {  	_ =	swait.ge @!p0 [sflag:s0], s1  }
0x134: {  	s1 =	ssub.s32 @!p0 $0x0, s1;
	[sflag:s0] =	ssyncset.done @!p0 $0x0  }
0x135: {  	[sflag:s0] =	ssyncadd.s32 @!p0 s1  }
0x136: {  	[bflag:$0x3] =	sbarrier.arrive $0xFFFF  }
0x137: {  	_ =	shalt  }

</sc_bundles>
